<compile_context>
chip_gen: v7x
topology: tpu7x:2x2x1
jax: 0.10.2.dev20260603
libtpu: 0.0.44.dev20260713+nightly
codegen_flags: <defaults>
</compile_context>

<pallas_src>
import functools

import jax
import jax.numpy as jnp
from jax import lax
from jax.experimental import pallas as pl
from jax.experimental.pallas import tpu as pltpu
from jax.experimental.pallas import tpu_sc as plsc

_N = 1048576
_Q = 8192
_K = 2 * _Q
_LAM = 0.5
_GAMMA = 0.2

_NC, _NS, _L = 2, 16, 16
_NW = _NC * _NS
_CHUNK = _N // _NW
_PIECE = 8192
_NPIECE = _CHUNK // _PIECE


@functools.cache
def _build_sc_kernel():
    mesh = plsc.VectorSubcoreMesh(core_axis_name="c", subcore_axis_name="s",
                                  num_cores=_NC, num_subcores=_NS)

    @functools.partial(
        pl.kernel,
        out_type=jax.ShapeDtypeStruct((4, _NW, _Q), jnp.float32),
        mesh=mesh,
        scratch_types=[
            pltpu.VMEM((_PIECE,), jnp.float32),
            pltpu.VMEM((_PIECE,), jnp.float32),
            pltpu.VMEM((_PIECE,), jnp.int32),
            pltpu.VMEM((_PIECE,), jnp.int32),
            pltpu.VMEM((_PIECE + _L,), jnp.int32),
            pltpu.VMEM((_PIECE + _L,), jnp.int32),
            pltpu.VMEM((_Q,), jnp.float32),
            pltpu.VMEM((2,), jnp.float32),
            pltpu.VMEM((_Q,), jnp.float32),
            pltpu.VMEM((2,), jnp.float32),
            pltpu.VMEM((_Q,), jnp.float32),
            pltpu.VMEM((2,), jnp.float32),
            pltpu.VMEM((_Q,), jnp.float32),
            pltpu.SemaphoreType.DMA,
            pltpu.SemaphoreType.DMA,
        ],
        compiler_params=pltpu.CompilerParams(needs_layout_passes=False),
    )
    def _sc_segment_stats(scores_hbm, labels_hbm, qids_hbm, out_hbm,
                          s0_v, s1_v, l0_v, l1_v, q0_v, q1_v,
                          ts_v, pad0, tc_v, pad1, ps_v, pad2, pc_v,
                          sem0, sem1):
        del pad0, pad1, pad2
        _sc_body(scores_hbm, labels_hbm, qids_hbm, out_hbm,
                 (s0_v, s1_v), (l0_v, l1_v), (q0_v, q1_v),
                 ts_v, tc_v, ps_v, pc_v, (sem0, sem1))

    return _sc_segment_stats


def _sc_body(scores_hbm, labels_hbm, qids_hbm, out_hbm,
             s_bufs, l_bufs, q_bufs, ts_v, tc_v, ps_v, pc_v, sems):
    wid = lax.axis_index("s") * _NC + lax.axis_index("c")
    base = wid * _CHUNK

    def start_piece(p):
        b = p % 2
        off = base + p * _PIECE
        sem = sems[b]
        return (
            pltpu.async_copy(scores_hbm.at[pl.ds(off, _PIECE)],
                             s_bufs[b], sem),
            pltpu.async_copy(labels_hbm.at[pl.ds(off, _PIECE)],
                             l_bufs[b], sem),
            pltpu.async_copy(qids_hbm.at[pl.ds(off, _PIECE)],
                             q_bufs[b].at[pl.ds(0, _PIECE)], sem),
        )

    handles = {0: start_piece(0), 1: start_piece(1)}

    zero = jnp.zeros((_L,), jnp.float32)

    @plsc.parallel_loop(0, _Q // _L)
    def _zero(i):
        j = i * _L
        ts_v[pl.ds(j, _L)] = zero
        tc_v[pl.ds(j, _L)] = zero
        ps_v[pl.ds(j, _L)] = zero
        pc_v[pl.ds(j, _L)] = zero

    lane = lax.iota(jnp.int32, _L)
    last_lane = lane == (_L - 1)
    not_last = lane != (_L - 1)
    c_one = (lane + 1).astype(jnp.float32)
    neg_c_one = -c_one

    for p in range(_NPIECE):
        b = p % 2
        for h in handles.pop(p):
            h.wait()
        if p + 2 < _NPIECE:
            handles[p + 2] = start_piece(p + 2)
        sb_v = s_bufs[b]
        lb_v = l_bufs[b]
        qb_v = q_bufs[b]

        @plsc.parallel_loop(0, _PIECE // _L, unroll=8)
        def _body(i):
            j = i * _L
            s = sb_v[pl.ds(j, _L)]
            lf = lb_v[pl.ds(j, _L)].astype(jnp.float32)
            q = qb_v[pl.ds(j, _L)]
            qn = qb_v[pl.ds(j + 1, _L)]
            boundary = q != qn
            flush = boundary | last_lane
            bsub = boundary & not_last
            c_s = plsc.cumsum(s)
            c_sl = plsc.cumsum(s * lf)
            c_lf = plsc.cumsum(lf)
            plsc.addupdate_scatter(ts_v, [q], c_s, mask=flush)
            plsc.addupdate_scatter(tc_v, [q], c_one, mask=flush)
            plsc.addupdate_scatter(ps_v, [q], c_sl, mask=flush)
            plsc.addupdate_scatter(pc_v, [q], c_lf, mask=flush)
            plsc.addupdate_scatter(ts_v, [qn], -c_s, mask=bsub)
            plsc.addupdate_scatter(tc_v, [qn], neg_c_one, mask=bsub)
            plsc.addupdate_scatter(ps_v, [qn], -c_sl, mask=bsub)
            plsc.addupdate_scatter(pc_v, [qn], -c_lf, mask=bsub)

    pltpu.sync_copy(ts_v, out_hbm.at[0, wid])
    pltpu.sync_copy(tc_v, out_hbm.at[1, wid])
    pltpu.sync_copy(ps_v, out_hbm.at[2, wid])
    pltpu.sync_copy(pc_v, out_hbm.at[3, wid])


_BLK_ROWS = 256
_G = _N // (_BLK_ROWS * 128)


def _tc_bce_body(scores_ref, labels_ref, out_ref, acc_ref):
    i = pl.program_id(0)

    @pl.when(i == 0)
    def _init():
        acc_ref[0] = 0.0

    s = scores_ref[...]
    t = jnp.where(labels_ref[...] == 1, s, 1.0 - s)
    acc_ref[0] += jnp.sum(jnp.maximum(jnp.log(t), -100.0))

    @pl.when(i == _G - 1)
    def _done():
        out_ref[0, 0] = acc_ref[0]


_tc_bce = pl.pallas_call(
    _tc_bce_body,
    grid=(_G,),
    in_specs=[
        pl.BlockSpec((_BLK_ROWS, 128), lambda i: (i, 0)),
        pl.BlockSpec((_BLK_ROWS, 128), lambda i: (i, 0)),
    ],
    out_specs=pl.BlockSpec(memory_space=pltpu.SMEM),
    out_shape=jax.ShapeDtypeStruct((1, 1), jnp.float32),
    scratch_shapes=[pltpu.SMEM((1,), jnp.float32)],
)


def _tc_fin_body(parts_ref, bce_ref, out_ref):
    red = jnp.sum(parts_ref[...], axis=1)
    tot_s = red[0:1, :]
    tot_c = red[1:2, :]
    sum_pos = red[2:3, :]
    cnt_pos = red[3:4, :]
    sum_neg = tot_s - sum_pos
    cnt_neg = tot_c - cnt_pos
    valid = (cnt_pos > 0.0) & (cnt_neg > 0.0)
    pos_mean = sum_pos / jnp.maximum(cnt_pos, 1.0)
    neg_mean = sum_neg / jnp.maximum(cnt_neg, 1.0)
    delta = pos_mean - neg_mean
    terms = jnp.where(valid, jnp.maximum(_GAMMA - delta, 0.0), 0.0)
    n_groups = jnp.sum(valid.astype(jnp.float32))
    ldc = jnp.where(n_groups > 0.0,
                    jnp.sum(terms) / jnp.maximum(n_groups, 1.0), 0.0)
    lce = -bce_ref[0, 0] / _N
    out_ref[0, 0] = lce + _LAM * ldc


_tc_finalize = pl.pallas_call(
    _tc_fin_body,
    in_specs=[
        pl.BlockSpec(memory_space=pltpu.VMEM),
        pl.BlockSpec(memory_space=pltpu.SMEM),
    ],
    out_specs=pl.BlockSpec(memory_space=pltpu.SMEM),
    out_shape=jax.ShapeDtypeStruct((1, 1), jnp.float32),
)


def kernel(scores, labels, qids):
    labels_i = labels.astype(jnp.int32)
    qids_i = qids.astype(jnp.int32)
    parts = _build_sc_kernel()(scores, labels_i, qids_i)
    s2 = scores.reshape(_N // 128, 128)
    l2 = labels_i.reshape(_N // 128, 128)
    bce = _tc_bce(s2, l2)
    out = _tc_finalize(parts, bce)
    return out[0, 0]

# --- scband reference (transcript-rebuilt; emitter-appended) ---
"""Pipeline reference for scband-dsrqsloss-31894427140770 (READ-ONLY COPY).

The authoritative reference and input builder live on the scoring server;
editing this copy changes nothing except your own understanding.
"""

import jax, jax.numpy as jnp
import numpy as np

N = 1048576
NUM_QIDS = 8192
LAM = 0.5
GAMMA = 0.2


def setup_inputs(seed: int = 0) -> dict:
    key = jax.random.key(seed)
    k1, k2, k3 = jax.random.split(key, 3)
    scores = jax.random.uniform(k1, (N,), dtype=jnp.float32)
    labels = jax.random.randint(k2, (N,), 0, 2, dtype=jnp.int64)
    qids = jnp.sort(jax.random.randint(k3, (N,), 0, NUM_QIDS, dtype=jnp.int64))
    return {"scores": scores, "labels": labels, "qids": qids}


def reference(scores, labels, qids):
    labels_f = labels.astype(jnp.float32)
    # BCE with torch-style log clamping at -100
    log_s = jnp.maximum(jnp.log(scores), -100.0)
    log_1ms = jnp.maximum(jnp.log1p(-scores), -100.0)
    lce = -jnp.mean(labels_f * log_s + (1.0 - labels_f) * log_1ms)

    # Per-qid group delta-contrast loss via segment reductions
    pos_mask = labels_f
    neg_mask = 1.0 - labels_f
    pos_sum = jax.ops.segment_sum(scores * pos_mask, qids, num_segments=NUM_QIDS)
    pos_cnt = jax.ops.segment_sum(pos_mask, qids, num_segments=NUM_QIDS)
    neg_sum = jax.ops.segment_sum(scores * neg_mask, qids, num_segments=NUM_QIDS)
    neg_cnt = jax.ops.segment_sum(neg_mask, qids, num_segments=NUM_QIDS)

    valid = (pos_cnt > 0) & (neg_cnt > 0)
    pos_mean = pos_sum / jnp.maximum(pos_cnt, 1.0)
    neg_mean = neg_sum / jnp.maximum(neg_cnt, 1.0)
    delta = pos_mean - neg_mean
    ldc_terms = jnp.where(valid, jax.nn.relu(GAMMA - delta), 0.0)
    n_groups = jnp.sum(valid.astype(jnp.float32))
    ldc = jnp.where(n_groups > 0, jnp.sum(ldc_terms) / jnp.maximum(n_groups, 1.0), 0.0)

    return lce + LAM * ldc

if __name__ == "__main__":
    import jax
    _d = setup_inputs()
    print(jax.jit(kernel)(*tuple(_d.values())))

</pallas_src>

<mosaic_0001>
#map = affine_map<(d0, d1) -> (0)>
#map1 = affine_map<(d0, d1) -> (0, 0, 0)>
module attributes {stable_mosaic.version = 14 : i64} {
  func.func @_sc_segment_stats(%arg0: i32, %arg1: i32, %arg2: memref<1048576xf32, #tpu.memory_space<hbm>>, %arg3: memref<1048576xi32, #tpu.memory_space<hbm>>, %arg4: memref<1048576xi32, #tpu.memory_space<hbm>>, %arg5: memref<4x32x8192xf32, #tpu.memory_space<hbm>>, %arg6: memref<8192xf32, #tpu.memory_space<vmem>>, %arg7: memref<8192xf32, #tpu.memory_space<vmem>>, %arg8: memref<8192xi32, #tpu.memory_space<vmem>>, %arg9: memref<8192xi32, #tpu.memory_space<vmem>>, %arg10: memref<8208xi32, #tpu.memory_space<vmem>>, %arg11: memref<8208xi32, #tpu.memory_space<vmem>>, %arg12: memref<8192xf32, #tpu.memory_space<vmem>>, %arg13: memref<2xf32, #tpu.memory_space<vmem>>, %arg14: memref<8192xf32, #tpu.memory_space<vmem>>, %arg15: memref<2xf32, #tpu.memory_space<vmem>>, %arg16: memref<8192xf32, #tpu.memory_space<vmem>>, %arg17: memref<2xf32, #tpu.memory_space<vmem>>, %arg18: memref<8192xf32, #tpu.memory_space<vmem>>, %arg19: memref<!tpu.dma_semaphore, #tpu.memory_space<semaphore_mem>>, %arg20: memref<!tpu.dma_semaphore, #tpu.memory_space<semaphore_mem>>) attributes {dimension_semantics = [#tpu.dimension_semantics<core_parallel>, #tpu.dimension_semantics<subcore_parallel>], iteration_bounds = array<i64: 2, 16>, scalar_prefetch = 0 : i64, scratch_operands = 15 : i64, tpu.core_type = #tpu.core_type<sc_vector_subcore>, window_params = [{transform_indices = #map}, {transform_indices = #map}, {transform_indices = #map}, {transform_indices = #map1}]} {
    %mul3A = arith.constant 2 : i32
    %mul3A_0 = arith.muli %arg1, %mul3A : i32
    %add3A = arith.addi %mul3A_0, %arg0 : i32
    %mul3A_1 = arith.constant 32768 : i32
    %mul3A_2 = arith.muli %add3A, %mul3A_1 : i32
    %add3A_3 = arith.constant 0 : i32
    %add3A_4 = arith.addi %mul3A_2, %add3A_3 : i32
    %dma_start3A = tpu.memref_slice %arg2[%add3A_4] : memref<1048576xf32, #tpu.memory_space<hbm>> -> memref<8192xf32, #tpu.memory_space<hbm>>
    %dma_start3A_5 = tpu.memref_slice %arg2[%add3A_4] : memref<1048576xf32, #tpu.memory_space<hbm>> -> memref<8192xf32, #tpu.memory_space<hbm>>
    tpu.enqueue_dma source(%dma_start3A_5 : memref<8192xf32, #tpu.memory_space<hbm>>) target(%arg6 : memref<8192xf32, #tpu.memory_space<vmem>>) target_semaphore(%arg19 : memref<!tpu.dma_semaphore, #tpu.memory_space<semaphore_mem>>)
    %dma_start3A_6 = tpu.memref_slice %arg3[%add3A_4] : memref<1048576xi32, #tpu.memory_space<hbm>> -> memref<8192xi32, #tpu.memory_space<hbm>>
    %dma_start3A_7 = tpu.memref_slice %arg3[%add3A_4] : memref<1048576xi32, #tpu.memory_space<hbm>> -> memref<8192xi32, #tpu.memory_space<hbm>>
    tpu.enqueue_dma source(%dma_start3A_7 : memref<8192xi32, #tpu.memory_space<hbm>>) target(%arg8 : memref<8192xi32, #tpu.memory_space<vmem>>) target_semaphore(%arg19 : memref<!tpu.dma_semaphore, #tpu.memory_space<semaphore_mem>>)
    %dma_start3A_8 = arith.constant 0 : i32
    %dma_start3A_9 = tpu.memref_slice %arg10[%dma_start3A_8] : memref<8208xi32, #tpu.memory_space<vmem>> -> memref<8192xi32, #tpu.memory_space<vmem>>
    %dma_start3A_10 = tpu.memref_slice %arg4[%add3A_4] : memref<1048576xi32, #tpu.memory_space<hbm>> -> memref<8192xi32, #tpu.memory_space<hbm>>
    %dma_start3A_11 = arith.constant 0 : i32
    %dma_start3A_12 = tpu.memref_slice %arg10[%dma_start3A_11] : memref<8208xi32, #tpu.memory_space<vmem>> -> memref<8192xi32, #tpu.memory_space<vmem>>
    %dma_start3A_13 = tpu.memref_slice %arg4[%add3A_4] : memref<1048576xi32, #tpu.memory_space<hbm>> -> memref<8192xi32, #tpu.memory_space<hbm>>
    tpu.enqueue_dma source(%dma_start3A_13 : memref<8192xi32, #tpu.memory_space<hbm>>) target(%dma_start3A_12 : memref<8192xi32, #tpu.memory_space<vmem>>) target_semaphore(%arg19 : memref<!tpu.dma_semaphore, #tpu.memory_space<semaphore_mem>>)
    %add3A_14 = arith.constant 8192 : i32
    %add3A_15 = arith.addi %mul3A_2, %add3A_14 : i32
    %dma_start3A_16 = tpu.memref_slice %arg2[%add3A_15] : memref<1048576xf32, #tpu.memory_space<hbm>> -> memref<8192xf32, #tpu.memory_space<hbm>>
    %dma_start3A_17 = tpu.memref_slice %arg2[%add3A_15] : memref<1048576xf32, #tpu.memory_space<hbm>> -> memref<8192xf32, #tpu.memory_space<hbm>>
    tpu.enqueue_dma source(%dma_start3A_17 : memref<8192xf32, #tpu.memory_space<hbm>>) target(%arg7 : memref<8192xf32, #tpu.memory_space<vmem>>) target_semaphore(%arg20 : memref<!tpu.dma_semaphore, #tpu.memory_space<semaphore_mem>>)
    %dma_start3A_18 = tpu.memref_slice %arg3[%add3A_15] : memref<1048576xi32, #tpu.memory_space<hbm>> -> memref<8192xi32, #tpu.memory_space<hbm>>
    %dma_start3A_19 = tpu.memref_slice %arg3[%add3A_15] : memref<1048576xi32, #tpu.memory_space<hbm>> -> memref<8192xi32, #tpu.memory_space<hbm>>
    tpu.enqueue_dma source(%dma_start3A_19 : memref<8192xi32, #tpu.memory_space<hbm>>) target(%arg9 : memref<8192xi32, #tpu.memory_space<vmem>>) target_semaphore(%arg20 : memref<!tpu.dma_semaphore, #tpu.memory_space<semaphore_mem>>)
    %dma_start3A_20 = arith.constant 0 : i32
    %dma_start3A_21 = tpu.memref_slice %arg11[%dma_start3A_20] : memref<8208xi32, #tpu.memory_space<vmem>> -> memref<8192xi32, #tpu.memory_space<vmem>>
    %dma_start3A_22 = tpu.memref_slice %arg4[%add3A_15] : memref<1048576xi32, #tpu.memory_space<hbm>> -> memref<8192xi32, #tpu.memory_space<hbm>>
    %dma_start3A_23 = arith.constant 0 : i32
    %dma_start3A_24 = tpu.memref_slice %arg11[%dma_start3A_23] : memref<8208xi32, #tpu.memory_space<vmem>> -> memref<8192xi32, #tpu.memory_space<vmem>>
    %dma_start3A_25 = tpu.memref_slice %arg4[%add3A_15] : memref<1048576xi32, #tpu.memory_space<hbm>> -> memref<8192xi32, #tpu.memory_space<hbm>>
    tpu.enqueue_dma source(%dma_start3A_25 : memref<8192xi32, #tpu.memory_space<hbm>>) target(%dma_start3A_24 : memref<8192xi32, #tpu.memory_space<vmem>>) target_semaphore(%arg20 : memref<!tpu.dma_semaphore, #tpu.memory_space<semaphore_mem>>)
    %broadcast_in_dim3A = arith.constant 0.000000e+00 : f32
    %broadcast_in_dim3A_26 = vector.broadcast %broadcast_in_dim3A : f32 to vector<16xf32>
    %parallel_loop3A = arith.constant 0 : i32
    %parallel_loop3A_27 = arith.constant 512 : i32
    %parallel_loop3A_28 = arith.constant 1 : i32
    scf.for %parallel_loop3A_116 = %parallel_loop3A to %parallel_loop3A_27 step %parallel_loop3A_28  : i32 {
      %parallel_loop3A_117 = arith.constant 16 : i32
      %parallel_loop3A_118 = arith.muli %parallel_loop3A_116, %parallel_loop3A_117 : i32
      %parallel_loop3A_119 = arith.index_cast %parallel_loop3A_118 : i32 to index
      %parallel_loop3A_120 = tpu.vector_load %arg12[%parallel_loop3A_119] {strides = array<i32>} : memref<8192xf32, #tpu.memory_space<vmem>>, vector<16xf32>,
      tpu.vector_store %arg12[%parallel_loop3A_119], %broadcast_in_dim3A_26 {strides = array<i32>} : memref<8192xf32, #tpu.memory_space<vmem>>, vector<16xf32>,
      %parallel_loop3A_121 = arith.index_cast %parallel_loop3A_118 : i32 to index
      %parallel_loop3A_122 = tpu.vector_load %arg14[%parallel_loop3A_121] {strides = array<i32>} : memref<8192xf32, #tpu.memory_space<vmem>>, vector<16xf32>,
      tpu.vector_store %arg14[%parallel_loop3A_121], %broadcast_in_dim3A_26 {strides = array<i32>} : memref<8192xf32, #tpu.memory_space<vmem>>, vector<16xf32>,
      %parallel_loop3A_123 = arith.index_cast %parallel_loop3A_118 : i32 to index
      %parallel_loop3A_124 = tpu.vector_load %arg16[%parallel_loop3A_123] {strides = array<i32>} : memref<8192xf32, #tpu.memory_space<vmem>>, vector<16xf32>,
      tpu.vector_store %arg16[%parallel_loop3A_123], %broadcast_in_dim3A_26 {strides = array<i32>} : memref<8192xf32, #tpu.memory_space<vmem>>, vector<16xf32>,
      %parallel_loop3A_125 = arith.index_cast %parallel_loop3A_118 : i32 to index
      %parallel_loop3A_126 = tpu.vector_load %arg18[%parallel_loop3A_125] {strides = array<i32>} : memref<8192xf32, #tpu.memory_space<vmem>>, vector<16xf32>,
      tpu.vector_store %arg18[%parallel_loop3A_125], %broadcast_in_dim3A_26 {strides = array<i32>} : memref<8192xf32, #tpu.memory_space<vmem>>, vector<16xf32>,
    } {sc.loop_unroll_factor = 1 : i64, sc.parallel_access}
    %iota3A = tpu.iota {dimensions = array<i32: 0>} : vector<16xi32>
    %eq3A = arith.constant 15 : i32
    %eq3A_29 = vector.broadcast %eq3A : i32 to vector<16xi32>
    %eq3A_30 = arith.cmpi eq, %iota3A, %eq3A_29 : vector<16xi32>
    %ne3A = arith.constant 15 : i32
    %ne3A_31 = vector.broadcast %ne3A : i32 to vector<16xi32>
    %ne3A_32 = arith.cmpi ne, %iota3A, %ne3A_31 : vector<16xi32>
    %add3A_33 = arith.constant 1 : i32
    %add3A_34 = vector.broadcast %add3A_33 : i32 to vector<16xi32>
    %add3A_35 = arith.addi %iota3A, %add3A_34 : vector<16xi32>
    %convert_element_type3A = arith.sitofp %add3A_35 : vector<16xi32> to vector<16xf32>
    %neg3A = arith.constant 0.000000e+00 : f32
    %neg3A_36 = vector.broadcast %neg3A : f32 to vector<16xf32>
    %neg3A_37 = arith.subf %neg3A_36, %convert_element_type3A : vector<16xf32>
    %dma_wait3A = tpu.memref_slice %arg2[%add3A_4] : memref<1048576xf32, #tpu.memory_space<hbm>> -> memref<8192xf32, #tpu.memory_space<hbm>>
    %dma_wait3A_38 = tpu.memref_slice %arg2[%add3A_4] : memref<1048576xf32, #tpu.memory_space<hbm>> -> memref<8192xf32, #tpu.memory_space<hbm>>
    tpu.wait_dma2 semaphore(%arg19 : memref<!tpu.dma_semaphore, #tpu.memory_space<semaphore_mem>>) src(%dma_wait3A_38 : memref<8192xf32, #tpu.memory_space<hbm>>) dst(%arg6 : memref<8192xf32, #tpu.memory_space<vmem>>)
    %dma_wait3A_39 = tpu.memref_slice %arg3[%add3A_4] : memref<1048576xi32, #tpu.memory_space<hbm>> -> memref<8192xi32, #tpu.memory_space<hbm>>
    %dma_wait3A_40 = tpu.memref_slice %arg3[%add3A_4] : memref<1048576xi32, #tpu.memory_space<hbm>> -> memref<8192xi32, #tpu.memory_space<hbm>>
    tpu.wait_dma2 semaphore(%arg19 : memref<!tpu.dma_semaphore, #tpu.memory_space<semaphore_mem>>) src(%dma_wait3A_40 : memref<8192xi32, #tpu.memory_space<hbm>>) dst(%arg8 : memref<8192xi32, #tpu.memory_space<vmem>>)
    %dma_wait3A_41 = arith.constant 0 : i32
    %dma_wait3A_42 = tpu.memref_slice %arg10[%dma_wait3A_41] : memref<8208xi32, #tpu.memory_space<vmem>> -> memref<8192xi32, #tpu.memory_space<vmem>>
    %dma_wait3A_43 = tpu.memref_slice %arg4[%add3A_4] : memref<1048576xi32, #tpu.memory_space<hbm>> -> memref<8192xi32, #tpu.memory_space<hbm>>
    %dma_wait3A_44 = arith.constant 0 : i32
    %dma_wait3A_45 = tpu.memref_slice %arg10[%dma_wait3A_44] : memref<8208xi32, #tpu.memory_space<vmem>> -> memref<8192xi32, #tpu.memory_space<vmem>>
    %dma_wait3A_46 = tpu.memref_slice %arg4[%add3A_4] : memref<1048576xi32, #tpu.memory_space<hbm>> -> memref<8192xi32, #tpu.memory_space<hbm>>
    tpu.wait_dma2 semaphore(%arg19 : memref<!tpu.dma_semaphore, #tpu.memory_space<semaphore_mem>>) src(%dma_wait3A_46 : memref<8192xi32, #tpu.memory_space<hbm>>) dst(%dma_wait3A_45 : memref<8192xi32, #tpu.memory_space<vmem>>)
    %add3A_47 = arith.constant 16384 : i32
    %add3A_48 = arith.addi %mul3A_2, %add3A_47 : i32
    %dma_start3A_49 = tpu.memref_slice %arg2[%add3A_48] : memref<1048576xf32, #tpu.memory_space<hbm>> -> memref<8192xf32, #tpu.memory_space<hbm>>
    %dma_start3A_50 = tpu.memref_slice %arg2[%add3A_48] : memref<1048576xf32, #tpu.memory_space<hbm>> -> memref<8192xf32, #tpu.memory_space<hbm>>
    tpu.enqueue_dma source(%dma_start3A_50 : memref<8192xf32, #tpu.memory_space<hbm>>) target(%arg6 : memref<8192xf32, #tpu.memory_space<vmem>>) target_semaphore(%arg19 : memref<!tpu.dma_semaphore, #tpu.memory_space<semaphore_mem>>)
    %dma_start3A_51 = tpu.memref_slice %arg3[%add3A_48] : memref<1048576xi32, #tpu.memory_space<hbm>> -> memref<8192xi32, #tpu.memory_space<hbm>>
    %dma_start3A_52 = tpu.memref_slice %arg3[%add3A_48] : memref<1048576xi32, #tpu.memory_space<hbm>> -> memref<8192xi32, #tpu.memory_space<hbm>>
    tpu.enqueue_dma source(%dma_start3A_52 : memref<8192xi32, #tpu.memory_space<hbm>>) target(%arg8 : memref<8192xi32, #tpu.memory_space<vmem>>) target_semaphore(%arg19 : memref<!tpu.dma_semaphore, #tpu.memory_space<semaphore_mem>>)
    %dma_start3A_53 = arith.constant 0 : i32
    %dma_start3A_54 = tpu.memref_slice %arg10[%dma_start3A_53] : memref<8208xi32, #tpu.memory_space<vmem>> -> memref<8192xi32, #tpu.memory_space<vmem>>
    %dma_start3A_55 = tpu.memref_slice %arg4[%add3A_48] : memref<1048576xi32, #tpu.memory_space<hbm>> -> memref<8192xi32, #tpu.memory_space<hbm>>
    %dma_start3A_56 = arith.constant 0 : i32
    %dma_start3A_57 = tpu.memref_slice %arg10[%dma_start3A_56] : memref<8208xi32, #tpu.memory_space<vmem>> -> memref<8192xi32, #tpu.memory_space<vmem>>
    %dma_start3A_58 = tpu.memref_slice %arg4[%add3A_48] : memref<1048576xi32, #tpu.memory_space<hbm>> -> memref<8192xi32, #tpu.memory_space<hbm>>
    tpu.enqueue_dma source(%dma_start3A_58 : memref<8192xi32, #tpu.memory_space<hbm>>) target(%dma_start3A_57 : memref<8192xi32, #tpu.memory_space<vmem>>) target_semaphore(%arg19 : memref<!tpu.dma_semaphore, #tpu.memory_space<semaphore_mem>>)
    %parallel_loop3A_59 = arith.constant 0 : i32
    %parallel_loop3A_60 = arith.constant 512 : i32
    %parallel_loop3A_61 = arith.constant 1 : i32
    scf.for %parallel_loop3A_116 = %parallel_loop3A_59 to %parallel_loop3A_60 step %parallel_loop3A_61  : i32 {
      %parallel_loop3A_117 = arith.constant 16 : i32
      %parallel_loop3A_118 = arith.muli %parallel_loop3A_116, %parallel_loop3A_117 : i32
      %parallel_loop3A_119 = arith.index_cast %parallel_loop3A_118 : i32 to index
      %parallel_loop3A_120 = tpu.vector_load %arg6[%parallel_loop3A_119] {strides = array<i32>} : memref<8192xf32, #tpu.memory_space<vmem>>, vector<16xf32>,
      %parallel_loop3A_121 = arith.index_cast %parallel_loop3A_118 : i32 to index
      %parallel_loop3A_122 = tpu.vector_load %arg8[%parallel_loop3A_121] {strides = array<i32>} : memref<8192xi32, #tpu.memory_space<vmem>>, vector<16xi32>,
      %parallel_loop3A_123 = arith.sitofp %parallel_loop3A_122 : vector<16xi32> to vector<16xf32>
      %parallel_loop3A_124 = arith.index_cast %parallel_loop3A_118 : i32 to index
      %parallel_loop3A_125 = tpu.vector_load %arg10[%parallel_loop3A_124] {strides = array<i32>} : memref<8208xi32, #tpu.memory_space<vmem>>, vector<16xi32>,
      %parallel_loop3A_126 = arith.constant 1 : i32
      %parallel_loop3A_127 = arith.addi %parallel_loop3A_118, %parallel_loop3A_126 : i32
      %parallel_loop3A_128 = arith.index_cast %parallel_loop3A_127 : i32 to index
      %parallel_loop3A_129 = tpu.vector_load %arg10[%parallel_loop3A_128] {strides = array<i32>} : memref<8208xi32, #tpu.memory_space<vmem>>, vector<16xi32>,
      %parallel_loop3A_130 = arith.cmpi ne, %parallel_loop3A_125, %parallel_loop3A_129 : vector<16xi32>
      %parallel_loop3A_131 = arith.ori %parallel_loop3A_130, %eq3A_30 : vector<16xi1>
      %parallel_loop3A_132 = arith.andi %parallel_loop3A_130, %ne3A_32 : vector<16xi1>
      %parallel_loop3A_133 = arith.constant true
      %parallel_loop3A_134 = vector.broadcast %parallel_loop3A_133 : i1 to vector<16xi1>
      %parallel_loop3A_135 = tpu.scan <sum>, %parallel_loop3A_120 masked %parallel_loop3A_134 : vector<16xf32>, vector<16xi1> -> vector<16xf32>
      %parallel_loop3A_136 = arith.mulf %parallel_loop3A_120, %parallel_loop3A_123 : vector<16xf32>
      %parallel_loop3A_137 = arith.constant true
      %parallel_loop3A_138 = vector.broadcast %parallel_loop3A_137 : i1 to vector<16xi1>
      %parallel_loop3A_139 = tpu.scan <sum>, %parallel_loop3A_136 masked %parallel_loop3A_138 : vector<16xf32>, vector<16xi1> -> vector<16xf32>
      %parallel_loop3A_140 = arith.constant true
      %parallel_loop3A_141 = vector.broadcast %parallel_loop3A_140 : i1 to vector<16xi1>
      %parallel_loop3A_142 = tpu.scan <sum>, %parallel_loop3A_123 masked %parallel_loop3A_141 : vector<16xf32>, vector<16xi1> -> vector<16xf32>
      tpu.vector_store_idx %arg12[%parallel_loop3A_125], %parallel_loop3A_135 masked %parallel_loop3A_131 {add = true} : memref<8192xf32, #tpu.memory_space<vmem>>[vector<16xi32>], vector<16xf32>, vector<16xi1>
      tpu.vector_store_idx %arg14[%parallel_loop3A_125], %convert_element_type3A masked %parallel_loop3A_131 {add = true} : memref<8192xf32, #tpu.memory_space<vmem>>[vector<16xi32>], vector<16xf32>, vector<16xi1>
      tpu.vector_store_idx %arg16[%parallel_loop3A_125], %parallel_loop3A_139 masked %parallel_loop3A_131 {add = true} : memref<8192xf32, #tpu.memory_space<vmem>>[vector<16xi32>], vector<16xf32>, vector<16xi1>
      tpu.vector_store_idx %arg18[%parallel_loop3A_125], %parallel_loop3A_142 masked %parallel_loop3A_131 {add = true} : memref<8192xf32, #tpu.memory_space<vmem>>[vector<16xi32>], vector<16xf32>, vector<16xi1>
      %parallel_loop3A_143 = arith.constant 0.000000e+00 : f32
      %parallel_loop3A_144 = vector.broadcast %parallel_loop3A_143 : f32 to vector<16xf32>
      %parallel_loop3A_145 = arith.subf %parallel_loop3A_144, %parallel_loop3A_135 : vector<16xf32>
      tpu.vector_store_idx %arg12[%parallel_loop3A_129], %parallel_loop3A_145 masked %parallel_loop3A_132 {add = true} : memref<8192xf32, #tpu.memory_space<vmem>>[vector<16xi32>], vector<16xf32>, vector<16xi1>
      tpu.vector_store_idx %arg14[%parallel_loop3A_129], %neg3A_37 masked %parallel_loop3A_132 {add = true} : memref<8192xf32, #tpu.memory_space<vmem>>[vector<16xi32>], vector<16xf32>, vector<16xi1>
      %parallel_loop3A_146 = arith.constant 0.000000e+00 : f32
      %parallel_loop3A_147 = vector.broadcast %parallel_loop3A_146 : f32 to vector<16xf32>
      %parallel_loop3A_148 = arith.subf %parallel_loop3A_147, %parallel_loop3A_139 : vector<16xf32>
      tpu.vector_store_idx %arg16[%parallel_loop3A_129], %parallel_loop3A_148 masked %parallel_loop3A_132 {add = true} : memref<8192xf32, #tpu.memory_space<vmem>>[vector<16xi32>], vector<16xf32>, vector<16xi1>
      %parallel_loop3A_149 = arith.constant 0.000000e+00 : f32
      %parallel_loop3A_150 = vector.broadcast %parallel_loop3A_149 : f32 to vector<16xf32>
      %parallel_loop3A_151 = arith.subf %parallel_loop3A_150, %parallel_loop3A_142 : vector<16xf32>
      tpu.vector_store_idx %arg18[%parallel_loop3A_129], %parallel_loop3A_151 masked %parallel_loop3A_132 {add = true} : memref<8192xf32, #tpu.memory_space<vmem>>[vector<16xi32>], vector<16xf32>, vector<16xi1>
    } {sc.loop_unroll_factor = 8 : i64, sc.parallel_access}
    %dma_wait3A_62 = tpu.memref_slice %arg2[%add3A_15] : memref<1048576xf32, #tpu.memory_space<hbm>> -> memref<8192xf32, #tpu.memory_space<hbm>>
    %dma_wait3A_63 = tpu.memref_slice %arg2[%add3A_15] : memref<1048576xf32, #tpu.memory_space<hbm>> -> memref<8192xf32, #tpu.memory_space<hbm>>
    tpu.wait_dma2 semaphore(%arg20 : memref<!tpu.dma_semaphore, #tpu.memory_space<semaphore_mem>>) src(%dma_wait3A_63 : memref<8192xf32, #tpu.memory_space<hbm>>) dst(%arg7 : memref<8192xf32, #tpu.memory_space<vmem>>)
    %dma_wait3A_64 = tpu.memref_slice %arg3[%add3A_15] : memref<1048576xi32, #tpu.memory_space<hbm>> -> memref<8192xi32, #tpu.memory_space<hbm>>
    %dma_wait3A_65 = tpu.memref_slice %arg3[%add3A_15] : memref<1048576xi32, #tpu.memory_space<hbm>> -> memref<8192xi32, #tpu.memory_space<hbm>>
    tpu.wait_dma2 semaphore(%arg20 : memref<!tpu.dma_semaphore, #tpu.memory_space<semaphore_mem>>) src(%dma_wait3A_65 : memref<8192xi32, #tpu.memory_space<hbm>>) dst(%arg9 : memref<8192xi32, #tpu.memory_space<vmem>>)
    %dma_wait3A_66 = arith.constant 0 : i32
    %dma_wait3A_67 = tpu.memref_slice %arg11[%dma_wait3A_66] : memref<8208xi32, #tpu.memory_space<vmem>> -> memref<8192xi32, #tpu.memory_space<vmem>>
    %dma_wait3A_68 = tpu.memref_slice %arg4[%add3A_15] : memref<1048576xi32, #tpu.memory_space<hbm>> -> memref<8192xi32, #tpu.memory_space<hbm>>
    %dma_wait3A_69 = arith.constant 0 : i32
    %dma_wait3A_70 = tpu.memref_slice %arg11[%dma_wait3A_69] : memref<8208xi32, #tpu.memory_space<vmem>> -> memref<8192xi32, #tpu.memory_space<vmem>>
    %dma_wait3A_71 = tpu.memref_slice %arg4[%add3A_15] : memref<1048576xi32, #tpu.memory_space<hbm>> -> memref<8192xi32, #tpu.memory_space<hbm>>
    tpu.wait_dma2 semaphore(%arg20 : memref<!tpu.dma_semaphore, #tpu.memory_space<semaphore_mem>>) src(%dma_wait3A_71 : memref<8192xi32, #tpu.memory_space<hbm>>) dst(%dma_wait3A_70 : memref<8192xi32, #tpu.memory_space<vmem>>)
    %add3A_72 = arith.constant 24576 : i32
    %add3A_73 = arith.addi %mul3A_2, %add3A_72 : i32
    %dma_start3A_74 = tpu.memref_slice %arg2[%add3A_73] : memref<1048576xf32, #tpu.memory_space<hbm>> -> memref<8192xf32, #tpu.memory_space<hbm>>
    %dma_start3A_75 = tpu.memref_slice %arg2[%add3A_73] : memref<1048576xf32, #tpu.memory_space<hbm>> -> memref<8192xf32, #tpu.memory_space<hbm>>
    tpu.enqueue_dma source(%dma_start3A_75 : memref<8192xf32, #tpu.memory_space<hbm>>) target(%arg7 : memref<8192xf32, #tpu.memory_space<vmem>>) target_semaphore(%arg20 : memref<!tpu.dma_semaphore, #tpu.memory_space<semaphore_mem>>)
    %dma_start3A_76 = tpu.memref_slice %arg3[%add3A_73] : memref<1048576xi32, #tpu.memory_space<hbm>> -> memref<8192xi32, #tpu.memory_space<hbm>>
    %dma_start3A_77 = tpu.memref_slice %arg3[%add3A_73] : memref<1048576xi32, #tpu.memory_space<hbm>> -> memref<8192xi32, #tpu.memory_space<hbm>>
    tpu.enqueue_dma source(%dma_start3A_77 : memref<8192xi32, #tpu.memory_space<hbm>>) target(%arg9 : memref<8192xi32, #tpu.memory_space<vmem>>) target_semaphore(%arg20 : memref<!tpu.dma_semaphore, #tpu.memory_space<semaphore_mem>>)
    %dma_start3A_78 = arith.constant 0 : i32
    %dma_start3A_79 = tpu.memref_slice %arg11[%dma_start3A_78] : memref<8208xi32, #tpu.memory_space<vmem>> -> memref<8192xi32, #tpu.memory_space<vmem>>
    %dma_start3A_80 = tpu.memref_slice %arg4[%add3A_73] : memref<1048576xi32, #tpu.memory_space<hbm>> -> memref<8192xi32, #tpu.memory_space<hbm>>
    %dma_start3A_81 = arith.constant 0 : i32
    %dma_start3A_82 = tpu.memref_slice %arg11[%dma_start3A_81] : memref<8208xi32, #tpu.memory_space<vmem>> -> memref<8192xi32, #tpu.memory_space<vmem>>
    %dma_start3A_83 = tpu.memref_slice %arg4[%add3A_73] : memref<1048576xi32, #tpu.memory_space<hbm>> -> memref<8192xi32, #tpu.memory_space<hbm>>
    tpu.enqueue_dma source(%dma_start3A_83 : memref<8192xi32, #tpu.memory_space<hbm>>) target(%dma_start3A_82 : memref<8192xi32, #tpu.memory_space<vmem>>) target_semaphore(%arg20 : memref<!tpu.dma_semaphore, #tpu.memory_space<semaphore_mem>>)
    %parallel_loop3A_84 = arith.constant 0 : i32
    %parallel_loop3A_85 = arith.constant 512 : i32
    %parallel_loop3A_86 = arith.constant 1 : i32
    scf.for %parallel_loop3A_116 = %parallel_loop3A_84 to %parallel_loop3A_85 step %parallel_loop3A_86  : i32 {
      %parallel_loop3A_117 = arith.constant 16 : i32
      %parallel_loop3A_118 = arith.muli %parallel_loop3A_116, %parallel_loop3A_117 : i32
      %parallel_loop3A_119 = arith.index_cast %parallel_loop3A_118 : i32 to index
      %parallel_loop3A_120 = tpu.vector_load %arg7[%parallel_loop3A_119] {strides = array<i32>} : memref<8192xf32, #tpu.memory_space<vmem>>, vector<16xf32>,
      %parallel_loop3A_121 = arith.index_cast %parallel_loop3A_118 : i32 to index
      %parallel_loop3A_122 = tpu.vector_load %arg9[%parallel_loop3A_121] {strides = array<i32>} : memref<8192xi32, #tpu.memory_space<vmem>>, vector<16xi32>,
      %parallel_loop3A_123 = arith.sitofp %parallel_loop3A_122 : vector<16xi32> to vector<16xf32>
      %parallel_loop3A_124 = arith.index_cast %parallel_loop3A_118 : i32 to index
      %parallel_loop3A_125 = tpu.vector_load %arg11[%parallel_loop3A_124] {strides = array<i32>} : memref<8208xi32, #tpu.memory_space<vmem>>, vector<16xi32>,
      %parallel_loop3A_126 = arith.constant 1 : i32
      %parallel_loop3A_127 = arith.addi %parallel_loop3A_118, %parallel_loop3A_126 : i32
      %parallel_loop3A_128 = arith.index_cast %parallel_loop3A_127 : i32 to index
      %parallel_loop3A_129 = tpu.vector_load %arg11[%parallel_loop3A_128] {strides = array<i32>} : memref<8208xi32, #tpu.memory_space<vmem>>, vector<16xi32>,
      %parallel_loop3A_130 = arith.cmpi ne, %parallel_loop3A_125, %parallel_loop3A_129 : vector<16xi32>
      %parallel_loop3A_131 = arith.ori %parallel_loop3A_130, %eq3A_30 : vector<16xi1>
      %parallel_loop3A_132 = arith.andi %parallel_loop3A_130, %ne3A_32 : vector<16xi1>
      %parallel_loop3A_133 = arith.constant true
      %parallel_loop3A_134 = vector.broadcast %parallel_loop3A_133 : i1 to vector<16xi1>
      %parallel_loop3A_135 = tpu.scan <sum>, %parallel_loop3A_120 masked %parallel_loop3A_134 : vector<16xf32>, vector<16xi1> -> vector<16xf32>
      %parallel_loop3A_136 = arith.mulf %parallel_loop3A_120, %parallel_loop3A_123 : vector<16xf32>
      %parallel_loop3A_137 = arith.constant true
      %parallel_loop3A_138 = vector.broadcast %parallel_loop3A_137 : i1 to vector<16xi1>
      %parallel_loop3A_139 = tpu.scan <sum>, %parallel_loop3A_136 masked %parallel_loop3A_138 : vector<16xf32>, vector<16xi1> -> vector<16xf32>
      %parallel_loop3A_140 = arith.constant true
      %parallel_loop3A_141 = vector.broadcast %parallel_loop3A_140 : i1 to vector<16xi1>
      %parallel_loop3A_142 = tpu.scan <sum>, %parallel_loop3A_123 masked %parallel_loop3A_141 : vector<16xf32>, vector<16xi1> -> vector<16xf32>
      tpu.vector_store_idx %arg12[%parallel_loop3A_125], %parallel_loop3A_135 masked %parallel_loop3A_131 {add = true} : memref<8192xf32, #tpu.memory_space<vmem>>[vector<16xi32>], vector<16xf32>, vector<16xi1>
      tpu.vector_store_idx %arg14[%parallel_loop3A_125], %convert_element_type3A masked %parallel_loop3A_131 {add = true} : memref<8192xf32, #tpu.memory_space<vmem>>[vector<16xi32>], vector<16xf32>, vector<16xi1>
      tpu.vector_store_idx %arg16[%parallel_loop3A_125], %parallel_loop3A_139 masked %parallel_loop3A_131 {add = true} : memref<8192xf32, #tpu.memory_space<vmem>>[vector<16xi32>], vector<16xf32>, vector<16xi1>
      tpu.vector_store_idx %arg18[%parallel_loop3A_125], %parallel_loop3A_142 masked %parallel_loop3A_131 {add = true} : memref<8192xf32, #tpu.memory_space<vmem>>[vector<16xi32>], vector<16xf32>, vector<16xi1>
      %parallel_loop3A_143 = arith.constant 0.000000e+00 : f32
      %parallel_loop3A_144 = vector.broadcast %parallel_loop3A_143 : f32 to vector<16xf32>
      %parallel_loop3A_145 = arith.subf %parallel_loop3A_144, %parallel_loop3A_135 : vector<16xf32>
      tpu.vector_store_idx %arg12[%parallel_loop3A_129], %parallel_loop3A_145 masked %parallel_loop3A_132 {add = true} : memref<8192xf32, #tpu.memory_space<vmem>>[vector<16xi32>], vector<16xf32>, vector<16xi1>
      tpu.vector_store_idx %arg14[%parallel_loop3A_129], %neg3A_37 masked %parallel_loop3A_132 {add = true} : memref<8192xf32, #tpu.memory_space<vmem>>[vector<16xi32>], vector<16xf32>, vector<16xi1>
      %parallel_loop3A_146 = arith.constant 0.000000e+00 : f32
      %parallel_loop3A_147 = vector.broadcast %parallel_loop3A_146 : f32 to vector<16xf32>
      %parallel_loop3A_148 = arith.subf %parallel_loop3A_147, %parallel_loop3A_139 : vector<16xf32>
      tpu.vector_store_idx %arg16[%parallel_loop3A_129], %parallel_loop3A_148 masked %parallel_loop3A_132 {add = true} : memref<8192xf32, #tpu.memory_space<vmem>>[vector<16xi32>], vector<16xf32>, vector<16xi1>
      %parallel_loop3A_149 = arith.constant 0.000000e+00 : f32
      %parallel_loop3A_150 = vector.broadcast %parallel_loop3A_149 : f32 to vector<16xf32>
      %parallel_loop3A_151 = arith.subf %parallel_loop3A_150, %parallel_loop3A_142 : vector<16xf32>
      tpu.vector_store_idx %arg18[%parallel_loop3A_129], %parallel_loop3A_151 masked %parallel_loop3A_132 {add = true} : memref<8192xf32, #tpu.memory_space<vmem>>[vector<16xi32>], vector<16xf32>, vector<16xi1>
    } {sc.loop_unroll_factor = 8 : i64, sc.parallel_access}
    %dma_wait3A_87 = tpu.memref_slice %arg2[%add3A_48] : memref<1048576xf32, #tpu.memory_space<hbm>> -> memref<8192xf32, #tpu.memory_space<hbm>>
    %dma_wait3A_88 = tpu.memref_slice %arg2[%add3A_48] : memref<1048576xf32, #tpu.memory_space<hbm>> -> memref<8192xf32, #tpu.memory_space<hbm>>
    tpu.wait_dma2 semaphore(%arg19 : memref<!tpu.dma_semaphore, #tpu.memory_space<semaphore_mem>>) src(%dma_wait3A_88 : memref<8192xf32, #tpu.memory_space<hbm>>) dst(%arg6 : memref<8192xf32, #tpu.memory_space<vmem>>)
    %dma_wait3A_89 = tpu.memref_slice %arg3[%add3A_48] : memref<1048576xi32, #tpu.memory_space<hbm>> -> memref<8192xi32, #tpu.memory_space<hbm>>
    %dma_wait3A_90 = tpu.memref_slice %arg3[%add3A_48] : memref<1048576xi32, #tpu.memory_space<hbm>> -> memref<8192xi32, #tpu.memory_space<hbm>>
    tpu.wait_dma2 semaphore(%arg19 : memref<!tpu.dma_semaphore, #tpu.memory_space<semaphore_mem>>) src(%dma_wait3A_90 : memref<8192xi32, #tpu.memory_space<hbm>>) dst(%arg8 : memref<8192xi32, #tpu.memory_space<vmem>>)
    %dma_wait3A_91 = arith.constant 0 : i32
    %dma_wait3A_92 = tpu.memref_slice %arg10[%dma_wait3A_91] : memref<8208xi32, #tpu.memory_space<vmem>> -> memref<8192xi32, #tpu.memory_space<vmem>>
    %dma_wait3A_93 = tpu.memref_slice %arg4[%add3A_48] : memref<1048576xi32, #tpu.memory_space<hbm>> -> memref<8192xi32, #tpu.memory_space<hbm>>
    %dma_wait3A_94 = arith.constant 0 : i32
    %dma_wait3A_95 = tpu.memref_slice %arg10[%dma_wait3A_94] : memref<8208xi32, #tpu.memory_space<vmem>> -> memref<8192xi32, #tpu.memory_space<vmem>>
    %dma_wait3A_96 = tpu.memref_slice %arg4[%add3A_48] : memref<1048576xi32, #tpu.memory_space<hbm>> -> memref<8192xi32, #tpu.memory_space<hbm>>
    tpu.wait_dma2 semaphore(%arg19 : memref<!tpu.dma_semaphore, #tpu.memory_space<semaphore_mem>>) src(%dma_wait3A_96 : memref<8192xi32, #tpu.memory_space<hbm>>) dst(%dma_wait3A_95 : memref<8192xi32, #tpu.memory_space<vmem>>)
    %parallel_loop3A_97 = arith.constant 0 : i32
    %parallel_loop3A_98 = arith.constant 512 : i32
    %parallel_loop3A_99 = arith.constant 1 : i32
    scf.for %parallel_loop3A_116 = %parallel_loop3A_97 to %parallel_loop3A_98 step %parallel_loop3A_99  : i32 {
      %parallel_loop3A_117 = arith.constant 16 : i32
      %parallel_loop3A_118 = arith.muli %parallel_loop3A_116, %parallel_loop3A_117 : i32
      %parallel_loop3A_119 = arith.index_cast %parallel_loop3A_118 : i32 to index
      %parallel_loop3A_120 = tpu.vector_load %arg6[%parallel_loop3A_119] {strides = array<i32>} : memref<8192xf32, #tpu.memory_space<vmem>>, vector<16xf32>,
      %parallel_loop3A_121 = arith.index_cast %parallel_loop3A_118 : i32 to index
      %parallel_loop3A_122 = tpu.vector_load %arg8[%parallel_loop3A_121] {strides = array<i32>} : memref<8192xi32, #tpu.memory_space<vmem>>, vector<16xi32>,
      %parallel_loop3A_123 = arith.sitofp %parallel_loop3A_122 : vector<16xi32> to vector<16xf32>
      %parallel_loop3A_124 = arith.index_cast %parallel_loop3A_118 : i32 to index
      %parallel_loop3A_125 = tpu.vector_load %arg10[%parallel_loop3A_124] {strides = array<i32>} : memref<8208xi32, #tpu.memory_space<vmem>>, vector<16xi32>,
      %parallel_loop3A_126 = arith.constant 1 : i32
      %parallel_loop3A_127 = arith.addi %parallel_loop3A_118, %parallel_loop3A_126 : i32
      %parallel_loop3A_128 = arith.index_cast %parallel_loop3A_127 : i32 to index
      %parallel_loop3A_129 = tpu.vector_load %arg10[%parallel_loop3A_128] {strides = array<i32>} : memref<8208xi32, #tpu.memory_space<vmem>>, vector<16xi32>,
      %parallel_loop3A_130 = arith.cmpi ne, %parallel_loop3A_125, %parallel_loop3A_129 : vector<16xi32>
      %parallel_loop3A_131 = arith.ori %parallel_loop3A_130, %eq3A_30 : vector<16xi1>
      %parallel_loop3A_132 = arith.andi %parallel_loop3A_130, %ne3A_32 : vector<16xi1>
      %parallel_loop3A_133 = arith.constant true
      %parallel_loop3A_134 = vector.broadcast %parallel_loop3A_133 : i1 to vector<16xi1>
      %parallel_loop3A_135 = tpu.scan <sum>, %parallel_loop3A_120 masked %parallel_loop3A_134 : vector<16xf32>, vector<16xi1> -> vector<16xf32>
      %parallel_loop3A_136 = arith.mulf %parallel_loop3A_120, %parallel_loop3A_123 : vector<16xf32>
      %parallel_loop3A_137 = arith.constant true
      %parallel_loop3A_138 = vector.broadcast %parallel_loop3A_137 : i1 to vector<16xi1>
      %parallel_loop3A_139 = tpu.scan <sum>, %parallel_loop3A_136 masked %parallel_loop3A_138 : vector<16xf32>, vector<16xi1> -> vector<16xf32>
      %parallel_loop3A_140 = arith.constant true
      %parallel_loop3A_141 = vector.broadcast %parallel_loop3A_140 : i1 to vector<16xi1>
      %parallel_loop3A_142 = tpu.scan <sum>, %parallel_loop3A_123 masked %parallel_loop3A_141 : vector<16xf32>, vector<16xi1> -> vector<16xf32>
      tpu.vector_store_idx %arg12[%parallel_loop3A_125], %parallel_loop3A_135 masked %parallel_loop3A_131 {add = true} : memref<8192xf32, #tpu.memory_space<vmem>>[vector<16xi32>], vector<16xf32>, vector<16xi1>
      tpu.vector_store_idx %arg14[%parallel_loop3A_125], %convert_element_type3A masked %parallel_loop3A_131 {add = true} : memref<8192xf32, #tpu.memory_space<vmem>>[vector<16xi32>], vector<16xf32>, vector<16xi1>
      tpu.vector_store_idx %arg16[%parallel_loop3A_125], %parallel_loop3A_139 masked %parallel_loop3A_131 {add = true} : memref<8192xf32, #tpu.memory_space<vmem>>[vector<16xi32>], vector<16xf32>, vector<16xi1>
      tpu.vector_store_idx %arg18[%parallel_loop3A_125], %parallel_loop3A_142 masked %parallel_loop3A_131 {add = true} : memref<8192xf32, #tpu.memory_space<vmem>>[vector<16xi32>], vector<16xf32>, vector<16xi1>
      %parallel_loop3A_143 = arith.constant 0.000000e+00 : f32
      %parallel_loop3A_144 = vector.broadcast %parallel_loop3A_143 : f32 to vector<16xf32>
      %parallel_loop3A_145 = arith.subf %parallel_loop3A_144, %parallel_loop3A_135 : vector<16xf32>
      tpu.vector_store_idx %arg12[%parallel_loop3A_129], %parallel_loop3A_145 masked %parallel_loop3A_132 {add = true} : memref<8192xf32, #tpu.memory_space<vmem>>[vector<16xi32>], vector<16xf32>, vector<16xi1>
      tpu.vector_store_idx %arg14[%parallel_loop3A_129], %neg3A_37 masked %parallel_loop3A_132 {add = true} : memref<8192xf32, #tpu.memory_space<vmem>>[vector<16xi32>], vector<16xf32>, vector<16xi1>
      %parallel_loop3A_146 = arith.constant 0.000000e+00 : f32
      %parallel_loop3A_147 = vector.broadcast %parallel_loop3A_146 : f32 to vector<16xf32>
      %parallel_loop3A_148 = arith.subf %parallel_loop3A_147, %parallel_loop3A_139 : vector<16xf32>
      tpu.vector_store_idx %arg16[%parallel_loop3A_129], %parallel_loop3A_148 masked %parallel_loop3A_132 {add = true} : memref<8192xf32, #tpu.memory_space<vmem>>[vector<16xi32>], vector<16xf32>, vector<16xi1>
      %parallel_loop3A_149 = arith.constant 0.000000e+00 : f32
      %parallel_loop3A_150 = vector.broadcast %parallel_loop3A_149 : f32 to vector<16xf32>
      %parallel_loop3A_151 = arith.subf %parallel_loop3A_150, %parallel_loop3A_142 : vector<16xf32>
      tpu.vector_store_idx %arg18[%parallel_loop3A_129], %parallel_loop3A_151 masked %parallel_loop3A_132 {add = true} : memref<8192xf32, #tpu.memory_space<vmem>>[vector<16xi32>], vector<16xf32>, vector<16xi1>
    } {sc.loop_unroll_factor = 8 : i64, sc.parallel_access}
    %dma_wait3A_100 = tpu.memref_slice %arg2[%add3A_73] : memref<1048576xf32, #tpu.memory_space<hbm>> -> memref<8192xf32, #tpu.memory_space<hbm>>
    %dma_wait3A_101 = tpu.memref_slice %arg2[%add3A_73] : memref<1048576xf32, #tpu.memory_space<hbm>> -> memref<8192xf32, #tpu.memory_space<hbm>>
    tpu.wait_dma2 semaphore(%arg20 : memref<!tpu.dma_semaphore, #tpu.memory_space<semaphore_mem>>) src(%dma_wait3A_101 : memref<8192xf32, #tpu.memory_space<hbm>>) dst(%arg7 : memref<8192xf32, #tpu.memory_space<vmem>>)
    %dma_wait3A_102 = tpu.memref_slice %arg3[%add3A_73] : memref<1048576xi32, #tpu.memory_space<hbm>> -> memref<8192xi32, #tpu.memory_space<hbm>>
    %dma_wait3A_103 = tpu.memref_slice %arg3[%add3A_73] : memref<1048576xi32, #tpu.memory_space<hbm>> -> memref<8192xi32, #tpu.memory_space<hbm>>
    tpu.wait_dma2 semaphore(%arg20 : memref<!tpu.dma_semaphore, #tpu.memory_space<semaphore_mem>>) src(%dma_wait3A_103 : memref<8192xi32, #tpu.memory_space<hbm>>) dst(%arg9 : memref<8192xi32, #tpu.memory_space<vmem>>)
    %dma_wait3A_104 = arith.constant 0 : i32
    %dma_wait3A_105 = tpu.memref_slice %arg11[%dma_wait3A_104] : memref<8208xi32, #tpu.memory_space<vmem>> -> memref<8192xi32, #tpu.memory_space<vmem>>
    %dma_wait3A_106 = tpu.memref_slice %arg4[%add3A_73] : memref<1048576xi32, #tpu.memory_space<hbm>> -> memref<8192xi32, #tpu.memory_space<hbm>>
    %dma_wait3A_107 = arith.constant 0 : i32
    %dma_wait3A_108 = tpu.memref_slice %arg11[%dma_wait3A_107] : memref<8208xi32, #tpu.memory_space<vmem>> -> memref<8192xi32, #tpu.memory_space<vmem>>
    %dma_wait3A_109 = tpu.memref_slice %arg4[%add3A_73] : memref<1048576xi32, #tpu.memory_space<hbm>> -> memref<8192xi32, #tpu.memory_space<hbm>>
    tpu.wait_dma2 semaphore(%arg20 : memref<!tpu.dma_semaphore, #tpu.memory_space<semaphore_mem>>) src(%dma_wait3A_109 : memref<8192xi32, #tpu.memory_space<hbm>>) dst(%dma_wait3A_108 : memref<8192xi32, #tpu.memory_space<vmem>>)
    %parallel_loop3A_110 = arith.constant 0 : i32
    %parallel_loop3A_111 = arith.constant 512 : i32
    %parallel_loop3A_112 = arith.constant 1 : i32
    scf.for %parallel_loop3A_116 = %parallel_loop3A_110 to %parallel_loop3A_111 step %parallel_loop3A_112  : i32 {
      %parallel_loop3A_117 = arith.constant 16 : i32
      %parallel_loop3A_118 = arith.muli %parallel_loop3A_116, %parallel_loop3A_117 : i32
      %parallel_loop3A_119 = arith.index_cast %parallel_loop3A_118 : i32 to index
      %parallel_loop3A_120 = tpu.vector_load %arg7[%parallel_loop3A_119] {strides = array<i32>} : memref<8192xf32, #tpu.memory_space<vmem>>, vector<16xf32>,
      %parallel_loop3A_121 = arith.index_cast %parallel_loop3A_118 : i32 to index
      %parallel_loop3A_122 = tpu.vector_load %arg9[%parallel_loop3A_121] {strides = array<i32>} : memref<8192xi32, #tpu.memory_space<vmem>>, vector<16xi32>,
      %parallel_loop3A_123 = arith.sitofp %parallel_loop3A_122 : vector<16xi32> to vector<16xf32>
      %parallel_loop3A_124 = arith.index_cast %parallel_loop3A_118 : i32 to index
      %parallel_loop3A_125 = tpu.vector_load %arg11[%parallel_loop3A_124] {strides = array<i32>} : memref<8208xi32, #tpu.memory_space<vmem>>, vector<16xi32>,
      %parallel_loop3A_126 = arith.constant 1 : i32
      %parallel_loop3A_127 = arith.addi %parallel_loop3A_118, %parallel_loop3A_126 : i32
      %parallel_loop3A_128 = arith.index_cast %parallel_loop3A_127 : i32 to index
      %parallel_loop3A_129 = tpu.vector_load %arg11[%parallel_loop3A_128] {strides = array<i32>} : memref<8208xi32, #tpu.memory_space<vmem>>, vector<16xi32>,
      %parallel_loop3A_130 = arith.cmpi ne, %parallel_loop3A_125, %parallel_loop3A_129 : vector<16xi32>
      %parallel_loop3A_131 = arith.ori %parallel_loop3A_130, %eq3A_30 : vector<16xi1>
      %parallel_loop3A_132 = arith.andi %parallel_loop3A_130, %ne3A_32 : vector<16xi1>
      %parallel_loop3A_133 = arith.constant true
      %parallel_loop3A_134 = vector.broadcast %parallel_loop3A_133 : i1 to vector<16xi1>
      %parallel_loop3A_135 = tpu.scan <sum>, %parallel_loop3A_120 masked %parallel_loop3A_134 : vector<16xf32>, vector<16xi1> -> vector<16xf32>
      %parallel_loop3A_136 = arith.mulf %parallel_loop3A_120, %parallel_loop3A_123 : vector<16xf32>
      %parallel_loop3A_137 = arith.constant true
      %parallel_loop3A_138 = vector.broadcast %parallel_loop3A_137 : i1 to vector<16xi1>
      %parallel_loop3A_139 = tpu.scan <sum>, %parallel_loop3A_136 masked %parallel_loop3A_138 : vector<16xf32>, vector<16xi1> -> vector<16xf32>
      %parallel_loop3A_140 = arith.constant true
      %parallel_loop3A_141 = vector.broadcast %parallel_loop3A_140 : i1 to vector<16xi1>
      %parallel_loop3A_142 = tpu.scan <sum>, %parallel_loop3A_123 masked %parallel_loop3A_141 : vector<16xf32>, vector<16xi1> -> vector<16xf32>
      tpu.vector_store_idx %arg12[%parallel_loop3A_125], %parallel_loop3A_135 masked %parallel_loop3A_131 {add = true} : memref<8192xf32, #tpu.memory_space<vmem>>[vector<16xi32>], vector<16xf32>, vector<16xi1>
      tpu.vector_store_idx %arg14[%parallel_loop3A_125], %convert_element_type3A masked %parallel_loop3A_131 {add = true} : memref<8192xf32, #tpu.memory_space<vmem>>[vector<16xi32>], vector<16xf32>, vector<16xi1>
      tpu.vector_store_idx %arg16[%parallel_loop3A_125], %parallel_loop3A_139 masked %parallel_loop3A_131 {add = true} : memref<8192xf32, #tpu.memory_space<vmem>>[vector<16xi32>], vector<16xf32>, vector<16xi1>
      tpu.vector_store_idx %arg18[%parallel_loop3A_125], %parallel_loop3A_142 masked %parallel_loop3A_131 {add = true} : memref<8192xf32, #tpu.memory_space<vmem>>[vector<16xi32>], vector<16xf32>, vector<16xi1>
      %parallel_loop3A_143 = arith.constant 0.000000e+00 : f32
      %parallel_loop3A_144 = vector.broadcast %parallel_loop3A_143 : f32 to vector<16xf32>
      %parallel_loop3A_145 = arith.subf %parallel_loop3A_144, %parallel_loop3A_135 : vector<16xf32>
      tpu.vector_store_idx %arg12[%parallel_loop3A_129], %parallel_loop3A_145 masked %parallel_loop3A_132 {add = true} : memref<8192xf32, #tpu.memory_space<vmem>>[vector<16xi32>], vector<16xf32>, vector<16xi1>
      tpu.vector_store_idx %arg14[%parallel_loop3A_129], %neg3A_37 masked %parallel_loop3A_132 {add = true} : memref<8192xf32, #tpu.memory_space<vmem>>[vector<16xi32>], vector<16xf32>, vector<16xi1>
      %parallel_loop3A_146 = arith.constant 0.000000e+00 : f32
      %parallel_loop3A_147 = vector.broadcast %parallel_loop3A_146 : f32 to vector<16xf32>
      %parallel_loop3A_148 = arith.subf %parallel_loop3A_147, %parallel_loop3A_139 : vector<16xf32>
      tpu.vector_store_idx %arg16[%parallel_loop3A_129], %parallel_loop3A_148 masked %parallel_loop3A_132 {add = true} : memref<8192xf32, #tpu.memory_space<vmem>>[vector<16xi32>], vector<16xf32>, vector<16xi1>
      %parallel_loop3A_149 = arith.constant 0.000000e+00 : f32
      %parallel_loop3A_150 = vector.broadcast %parallel_loop3A_149 : f32 to vector<16xf32>
      %parallel_loop3A_151 = arith.subf %parallel_loop3A_150, %parallel_loop3A_142 : vector<16xf32>
      tpu.vector_store_idx %arg18[%parallel_loop3A_129], %parallel_loop3A_151 masked %parallel_loop3A_132 {add = true} : memref<8192xf32, #tpu.memory_space<vmem>>[vector<16xi32>], vector<16xf32>, vector<16xi1>
    } {sc.loop_unroll_factor = 8 : i64, sc.parallel_access}
    %run_scoped3A = arith.constant 0 : i32
    "tpu.region"() ({
      %run_scoped3A_116 = tpu.sem_alloc : memref<!tpu.dma_semaphore, #tpu.memory_space<semaphore_mem>>
      %dma_start3A_117 = arith.constant 0 : i32
      %dma_start3A_118 = tpu.memref_slice %arg5[%run_scoped3A, %add3A, %dma_start3A_117] : memref<4x32x8192xf32, #tpu.memory_space<hbm>> -> memref<1x1x8192xf32, #tpu.memory_space<hbm>>
      %dma_start3A_119 = tpu.memref_squeeze %dma_start3A_118 : memref<1x1x8192xf32, #tpu.memory_space<hbm>> -> memref<8192xf32, #tpu.memory_space<hbm>>
      %dma_start3A_120 = arith.constant 0 : i32
      %dma_start3A_121 = tpu.memref_slice %arg5[%run_scoped3A, %add3A, %dma_start3A_120] : memref<4x32x8192xf32, #tpu.memory_space<hbm>> -> memref<1x1x8192xf32, #tpu.memory_space<hbm>>
      %dma_start3A_122 = tpu.memref_squeeze %dma_start3A_121 : memref<1x1x8192xf32, #tpu.memory_space<hbm>> -> memref<8192xf32, #tpu.memory_space<hbm>>
      tpu.enqueue_dma source(%arg12 : memref<8192xf32, #tpu.memory_space<vmem>>) target(%dma_start3A_122 : memref<8192xf32, #tpu.memory_space<hbm>>) target_semaphore(%run_scoped3A_116 : memref<!tpu.dma_semaphore, #tpu.memory_space<semaphore_mem>>)
      %dma_wait3A_123 = arith.constant 0 : i32
      %dma_wait3A_124 = tpu.memref_slice %arg5[%run_scoped3A, %add3A, %dma_wait3A_123] : memref<4x32x8192xf32, #tpu.memory_space<hbm>> -> memref<1x1x8192xf32, #tpu.memory_space<hbm>>
      %dma_wait3A_125 = tpu.memref_squeeze %dma_wait3A_124 : memref<1x1x8192xf32, #tpu.memory_space<hbm>> -> memref<8192xf32, #tpu.memory_space<hbm>>
      %dma_wait3A_126 = arith.constant 0 : i32
      %dma_wait3A_127 = tpu.memref_slice %arg5[%run_scoped3A, %add3A, %dma_wait3A_126] : memref<4x32x8192xf32, #tpu.memory_space<hbm>> -> memref<1x1x8192xf32, #tpu.memory_space<hbm>>
      %dma_wait3A_128 = tpu.memref_squeeze %dma_wait3A_127 : memref<1x1x8192xf32, #tpu.memory_space<hbm>> -> memref<8192xf32, #tpu.memory_space<hbm>>
      tpu.wait_dma2 semaphore(%run_scoped3A_116 : memref<!tpu.dma_semaphore, #tpu.memory_space<semaphore_mem>>) src(%arg12 : memref<8192xf32, #tpu.memory_space<vmem>>) dst(%dma_wait3A_128 : memref<8192xf32, #tpu.memory_space<hbm>>)
      tpu.yield
    }) : () -> ()
    %run_scoped3A_113 = arith.constant 1 : i32
    "tpu.region"() ({
      %run_scoped3A_116 = tpu.sem_alloc : memref<!tpu.dma_semaphore, #tpu.memory_space<semaphore_mem>>
      %dma_start3A_117 = arith.constant 0 : i32
      %dma_start3A_118 = tpu.memref_slice %arg5[%run_scoped3A_113, %add3A, %dma_start3A_117] : memref<4x32x8192xf32, #tpu.memory_space<hbm>> -> memref<1x1x8192xf32, #tpu.memory_space<hbm>>
      %dma_start3A_119 = tpu.memref_squeeze %dma_start3A_118 : memref<1x1x8192xf32, #tpu.memory_space<hbm>> -> memref<8192xf32, #tpu.memory_space<hbm>>
      %dma_start3A_120 = arith.constant 0 : i32
      %dma_start3A_121 = tpu.memref_slice %arg5[%run_scoped3A_113, %add3A, %dma_start3A_120] : memref<4x32x8192xf32, #tpu.memory_space<hbm>> -> memref<1x1x8192xf32, #tpu.memory_space<hbm>>
      %dma_start3A_122 = tpu.memref_squeeze %dma_start3A_121 : memref<1x1x8192xf32, #tpu.memory_space<hbm>> -> memref<8192xf32, #tpu.memory_space<hbm>>
      tpu.enqueue_dma source(%arg14 : memref<8192xf32, #tpu.memory_space<vmem>>) target(%dma_start3A_122 : memref<8192xf32, #tpu.memory_space<hbm>>) target_semaphore(%run_scoped3A_116 : memref<!tpu.dma_semaphore, #tpu.memory_space<semaphore_mem>>)
      %dma_wait3A_123 = arith.constant 0 : i32
      %dma_wait3A_124 = tpu.memref_slice %arg5[%run_scoped3A_113, %add3A, %dma_wait3A_123] : memref<4x32x8192xf32, #tpu.memory_space<hbm>> -> memref<1x1x8192xf32, #tpu.memory_space<hbm>>
      %dma_wait3A_125 = tpu.memref_squeeze %dma_wait3A_124 : memref<1x1x8192xf32, #tpu.memory_space<hbm>> -> memref<8192xf32, #tpu.memory_space<hbm>>
      %dma_wait3A_126 = arith.constant 0 : i32
      %dma_wait3A_127 = tpu.memref_slice %arg5[%run_scoped3A_113, %add3A, %dma_wait3A_126] : memref<4x32x8192xf32, #tpu.memory_space<hbm>> -> memref<1x1x8192xf32, #tpu.memory_space<hbm>>
      %dma_wait3A_128 = tpu.memref_squeeze %dma_wait3A_127 : memref<1x1x8192xf32, #tpu.memory_space<hbm>> -> memref<8192xf32, #tpu.memory_space<hbm>>
      tpu.wait_dma2 semaphore(%run_scoped3A_116 : memref<!tpu.dma_semaphore, #tpu.memory_space<semaphore_mem>>) src(%arg14 : memref<8192xf32, #tpu.memory_space<vmem>>) dst(%dma_wait3A_128 : memref<8192xf32, #tpu.memory_space<hbm>>)
      tpu.yield
    }) : () -> ()
    %run_scoped3A_114 = arith.constant 2 : i32
    "tpu.region"() ({
      %run_scoped3A_116 = tpu.sem_alloc : memref<!tpu.dma_semaphore, #tpu.memory_space<semaphore_mem>>
      %dma_start3A_117 = arith.constant 0 : i32
      %dma_start3A_118 = tpu.memref_slice %arg5[%run_scoped3A_114, %add3A, %dma_start3A_117] : memref<4x32x8192xf32, #tpu.memory_space<hbm>> -> memref<1x1x8192xf32, #tpu.memory_space<hbm>>
      %dma_start3A_119 = tpu.memref_squeeze %dma_start3A_118 : memref<1x1x8192xf32, #tpu.memory_space<hbm>> -> memref<8192xf32, #tpu.memory_space<hbm>>
      %dma_start3A_120 = arith.constant 0 : i32
      %dma_start3A_121 = tpu.memref_slice %arg5[%run_scoped3A_114, %add3A, %dma_start3A_120] : memref<4x32x8192xf32, #tpu.memory_space<hbm>> -> memref<1x1x8192xf32, #tpu.memory_space<hbm>>
      %dma_start3A_122 = tpu.memref_squeeze %dma_start3A_121 : memref<1x1x8192xf32, #tpu.memory_space<hbm>> -> memref<8192xf32, #tpu.memory_space<hbm>>
      tpu.enqueue_dma source(%arg16 : memref<8192xf32, #tpu.memory_space<vmem>>) target(%dma_start3A_122 : memref<8192xf32, #tpu.memory_space<hbm>>) target_semaphore(%run_scoped3A_116 : memref<!tpu.dma_semaphore, #tpu.memory_space<semaphore_mem>>)
      %dma_wait3A_123 = arith.constant 0 : i32
      %dma_wait3A_124 = tpu.memref_slice %arg5[%run_scoped3A_114, %add3A, %dma_wait3A_123] : memref<4x32x8192xf32, #tpu.memory_space<hbm>> -> memref<1x1x8192xf32, #tpu.memory_space<hbm>>
      %dma_wait3A_125 = tpu.memref_squeeze %dma_wait3A_124 : memref<1x1x8192xf32, #tpu.memory_space<hbm>> -> memref<8192xf32, #tpu.memory_space<hbm>>
      %dma_wait3A_126 = arith.constant 0 : i32
      %dma_wait3A_127 = tpu.memref_slice %arg5[%run_scoped3A_114, %add3A, %dma_wait3A_126] : memref<4x32x8192xf32, #tpu.memory_space<hbm>> -> memref<1x1x8192xf32, #tpu.memory_space<hbm>>
      %dma_wait3A_128 = tpu.memref_squeeze %dma_wait3A_127 : memref<1x1x8192xf32, #tpu.memory_space<hbm>> -> memref<8192xf32, #tpu.memory_space<hbm>>
      tpu.wait_dma2 semaphore(%run_scoped3A_116 : memref<!tpu.dma_semaphore, #tpu.memory_space<semaphore_mem>>) src(%arg16 : memref<8192xf32, #tpu.memory_space<vmem>>) dst(%dma_wait3A_128 : memref<8192xf32, #tpu.memory_space<hbm>>)
      tpu.yield
    }) : () -> ()
    %run_scoped3A_115 = arith.constant 3 : i32
    "tpu.region"() ({
      %run_scoped3A_116 = tpu.sem_alloc : memref<!tpu.dma_semaphore, #tpu.memory_space<semaphore_mem>>
      %dma_start3A_117 = arith.constant 0 : i32
      %dma_start3A_118 = tpu.memref_slice %arg5[%run_scoped3A_115, %add3A, %dma_start3A_117] : memref<4x32x8192xf32, #tpu.memory_space<hbm>> -> memref<1x1x8192xf32, #tpu.memory_space<hbm>>
      %dma_start3A_119 = tpu.memref_squeeze %dma_start3A_118 : memref<1x1x8192xf32, #tpu.memory_space<hbm>> -> memref<8192xf32, #tpu.memory_space<hbm>>
      %dma_start3A_120 = arith.constant 0 : i32
      %dma_start3A_121 = tpu.memref_slice %arg5[%run_scoped3A_115, %add3A, %dma_start3A_120] : memref<4x32x8192xf32, #tpu.memory_space<hbm>> -> memref<1x1x8192xf32, #tpu.memory_space<hbm>>
      %dma_start3A_122 = tpu.memref_squeeze %dma_start3A_121 : memref<1x1x8192xf32, #tpu.memory_space<hbm>> -> memref<8192xf32, #tpu.memory_space<hbm>>
      tpu.enqueue_dma source(%arg18 : memref<8192xf32, #tpu.memory_space<vmem>>) target(%dma_start3A_122 : memref<8192xf32, #tpu.memory_space<hbm>>) target_semaphore(%run_scoped3A_116 : memref<!tpu.dma_semaphore, #tpu.memory_space<semaphore_mem>>)
      %dma_wait3A_123 = arith.constant 0 : i32
      %dma_wait3A_124 = tpu.memref_slice %arg5[%run_scoped3A_115, %add3A, %dma_wait3A_123] : memref<4x32x8192xf32, #tpu.memory_space<hbm>> -> memref<1x1x8192xf32, #tpu.memory_space<hbm>>
      %dma_wait3A_125 = tpu.memref_squeeze %dma_wait3A_124 : memref<1x1x8192xf32, #tpu.memory_space<hbm>> -> memref<8192xf32, #tpu.memory_space<hbm>>
      %dma_wait3A_126 = arith.constant 0 : i32
      %dma_wait3A_127 = tpu.memref_slice %arg5[%run_scoped3A_115, %add3A, %dma_wait3A_126] : memref<4x32x8192xf32, #tpu.memory_space<hbm>> -> memref<1x1x8192xf32, #tpu.memory_space<hbm>>
      %dma_wait3A_128 = tpu.memref_squeeze %dma_wait3A_127 : memref<1x1x8192xf32, #tpu.memory_space<hbm>> -> memref<8192xf32, #tpu.memory_space<hbm>>
      tpu.wait_dma2 semaphore(%run_scoped3A_116 : memref<!tpu.dma_semaphore, #tpu.memory_space<semaphore_mem>>) src(%arg18 : memref<8192xf32, #tpu.memory_space<vmem>>) dst(%dma_wait3A_128 : memref<8192xf32, #tpu.memory_space<hbm>>)
      tpu.yield
    }) : () -> ()
    return
  }
}

module attributes {stable_mosaic.version = 14 : i64} {
  func.func @_tc_fin_body(%arg0: memref<4x32x8192xf32, #tpu.memory_space<vmem>>, %arg1: memref<1x1xf32, #tpu.memory_space<smem>>, %arg2: memref<1x1xf32, #tpu.memory_space<smem>>) attributes {dimension_semantics = [], scalar_prefetch = 0 : i64, scratch_operands = 0 : i64, tpu.core_type = #tpu.core_type<tc>} {
    %get3A = arith.constant 0 : index
    %get3A_0 = arith.constant 0 : index
    %get3A_1 = arith.constant 0 : index
    %get3A_2 = vector.load %arg0[%get3A, %get3A_0, %get3A_1] : memref<4x32x8192xf32, #tpu.memory_space<vmem>>, vector<4x32x8192xf32>
    %reduce_sum3A = arith.constant dense<0.000000e+00> : vector<4x8192xf32>
    %reduce_sum3A_3 = vector.multi_reduction <add>, %get3A_2, %reduce_sum3A [1] : vector<4x32x8192xf32> to vector<4x8192xf32>
    %slice3A = vector.extract_strided_slice %reduce_sum3A_3 {offsets = [0, 0], sizes = [1, 8192], strides = [1, 1]} : vector<4x8192xf32> to vector<1x8192xf32>
    %slice3A_4 = vector.extract_strided_slice %reduce_sum3A_3 {offsets = [1, 0], sizes = [1, 8192], strides = [1, 1]} : vector<4x8192xf32> to vector<1x8192xf32>
    %slice3A_5 = vector.extract_strided_slice %reduce_sum3A_3 {offsets = [2, 0], sizes = [1, 8192], strides = [1, 1]} : vector<4x8192xf32> to vector<1x8192xf32>
    %slice3A_6 = vector.extract_strided_slice %reduce_sum3A_3 {offsets = [3, 0], sizes = [1, 8192], strides = [1, 1]} : vector<4x8192xf32> to vector<1x8192xf32>
    %sub3A = arith.subf %slice3A, %slice3A_5 : vector<1x8192xf32>
    %sub3A_7 = arith.subf %slice3A_4, %slice3A_6 : vector<1x8192xf32>
    %gt3A = arith.constant 0.000000e+00 : f32
    %gt3A_8 = vector.broadcast %gt3A : f32 to vector<1x8192xf32>
    %gt3A_9 = arith.cmpf ogt, %slice3A_6, %gt3A_8 : vector<1x8192xf32>
    %gt3A_10 = arith.constant 0.000000e+00 : f32
    %gt3A_11 = vector.broadcast %gt3A_10 : f32 to vector<1x8192xf32>
    %gt3A_12 = arith.cmpf ogt, %sub3A_7, %gt3A_11 : vector<1x8192xf32>
    %and3A = arith.andi %gt3A_9, %gt3A_12 : vector<1x8192xi1>
    %max3A = arith.constant 1.000000e+00 : f32
    %max3A_13 = vector.broadcast %max3A : f32 to vector<1x8192xf32>
    %max3A_14 = arith.maximumf %slice3A_6, %max3A_13 : vector<1x8192xf32>
    %div3A = arith.divf %slice3A_5, %max3A_14 : vector<1x8192xf32>
    %max3A_15 = arith.constant 1.000000e+00 : f32
    %max3A_16 = vector.broadcast %max3A_15 : f32 to vector<1x8192xf32>
    %max3A_17 = arith.maximumf %sub3A_7, %max3A_16 : vector<1x8192xf32>
    %div3A_18 = arith.divf %sub3A, %max3A_17 : vector<1x8192xf32>
    %sub3A_19 = arith.subf %div3A, %div3A_18 : vector<1x8192xf32>
    %sub3A_20 = arith.constant 2.000000e-01 : f32
    %sub3A_21 = vector.broadcast %sub3A_20 : f32 to vector<1x8192xf32>
    %sub3A_22 = arith.subf %sub3A_21, %sub3A_19 : vector<1x8192xf32>
    %max3A_23 = arith.constant 0.000000e+00 : f32
    %max3A_24 = vector.broadcast %max3A_23 : f32 to vector<1x8192xf32>
    %max3A_25 = arith.maximumf %sub3A_22, %max3A_24 : vector<1x8192xf32>
    %jit3A = arith.constant 0.000000e+00 : f32
    %broadcast_in_dim3A = vector.broadcast %jit3A : f32 to vector<1x8192xf32>
    %select_n3A = arith.select %and3A, %max3A_25, %broadcast_in_dim3A : vector<1x8192xi1>, vector<1x8192xf32>
    %convert_element_type3A = arith.extui %and3A : vector<1x8192xi1> to vector<1x8192xi32>
    %convert_element_type3A_26 = arith.sitofp %convert_element_type3A : vector<1x8192xi32> to vector<1x8192xf32>
    %reduce_sum3A_27 = vector.shape_cast %convert_element_type3A_26 : vector<1x8192xf32> to vector<1x1x8192xf32>
    %reduce_sum3A_28 = arith.constant dense<0.000000e+00> : vector<1xf32>
    %reduce_sum3A_29 = vector.multi_reduction <add>, %reduce_sum3A_27, %reduce_sum3A_28 [1, 2] : vector<1x1x8192xf32> to vector<1xf32>
    %reduce_sum3A_30 = vector.shape_cast %reduce_sum3A_29 : vector<1xf32> to vector<1x1x1xf32>
    %reduce_sum3A_31 = vector.extract %reduce_sum3A_30[0, 0, 0] : f32 from vector<1x1x1xf32>
    %gt3A_32 = arith.constant 0.000000e+00 : f32
    %gt3A_33 = arith.cmpf ogt, %reduce_sum3A_31, %gt3A_32 : f32
    %reduce_sum3A_34 = vector.shape_cast %select_n3A : vector<1x8192xf32> to vector<1x1x8192xf32>
    %reduce_sum3A_35 = arith.constant dense<0.000000e+00> : vector<1xf32>
    %reduce_sum3A_36 = vector.multi_reduction <add>, %reduce_sum3A_34, %reduce_sum3A_35 [1, 2] : vector<1x1x8192xf32> to vector<1xf32>
    %reduce_sum3A_37 = vector.shape_cast %reduce_sum3A_36 : vector<1xf32> to vector<1x1x1xf32>
    %reduce_sum3A_38 = vector.extract %reduce_sum3A_37[0, 0, 0] : f32 from vector<1x1x1xf32>
    %max3A_39 = arith.constant 1.000000e+00 : f32
    %max3A_40 = arith.maximumf %reduce_sum3A_31, %max3A_39 : f32
    %div3A_41 = arith.divf %reduce_sum3A_38, %max3A_40 : f32
    %jit3A_42 = arith.constant 0.000000e+00 : f32
    %select_n3A_43 = arith.select %gt3A_33, %div3A_41, %jit3A_42 : f32
    %get3A_44 = arith.constant 0 : index
    %get3A_45 = arith.constant 0 : index
    %get3A_46 = memref.load %arg1[%get3A_44, %get3A_45] : memref<1x1xf32, #tpu.memory_space<smem>>
    %neg3A = arith.constant 0.000000e+00 : f32
    %neg3A_47 = arith.subf %neg3A, %get3A_46 : f32
    %div3A_48 = arith.constant 0x49800000 : f32
    %div3A_49 = arith.divf %neg3A_47, %div3A_48 : f32
    %mul3A = arith.constant 5.000000e-01 : f32
    %mul3A_50 = arith.mulf %mul3A, %select_n3A_43 : f32
    %add3A = arith.addf %div3A_49, %mul3A_50 : f32
    %swap3A = arith.constant 0 : index
    %swap3A_51 = arith.constant 0 : index
    %swap3A_52 = memref.load %arg2[%swap3A, %swap3A_51] : memref<1x1xf32, #tpu.memory_space<smem>>
    memref.store %add3A, %arg2[%swap3A, %swap3A_51] : memref<1x1xf32, #tpu.memory_space<smem>>
    return
  }
}

module attributes {stable_mosaic.version = 14 : i64} {
  func.func @_tc_bce_body(%arg0: i32, %arg1: memref<256x128xf32, #tpu.memory_space<vmem>>, %arg2: memref<256x128xi32, #tpu.memory_space<vmem>>, %arg3: memref<1x1xf32, #tpu.memory_space<smem>>, %arg4: memref<1xf32, #tpu.memory_space<smem>>) attributes {dimension_semantics = [#tpu.dimension_semantics<arbitrary>], iteration_bounds = array<i64: 32>, scalar_prefetch = 0 : i64, scratch_operands = 1 : i64, tpu.core_type = #tpu.core_type<tc>, window_params = [{transform_indices = @transform_0, window_bounds = array<i64: 256, 128>}, {transform_indices = @transform_1, window_bounds = array<i64: 256, 128>}, {transform_indices = @transform_2, window_bounds = array<i64: 1, 1>}]} {
    %eq3A = arith.constant 0 : i32
    %eq3A_0 = arith.cmpi eq, %arg0, %eq3A : i32
    %convert_element_type3A = arith.extui %eq3A_0 : i1 to i32
    %cond3A = arith.constant 0 : i32
    %cond3A_1 = arith.cmpi ne, %convert_element_type3A, %cond3A : i32
    scf.if %cond3A_1 {
      %swap3A_26 = arith.constant 0.000000e+00 : f32
      %swap3A_27 = arith.constant 0 : index
      %swap3A_28 = memref.load %arg4[%swap3A_27] : memref<1xf32, #tpu.memory_space<smem>>
      memref.store %swap3A_26, %arg4[%swap3A_27] : memref<1xf32, #tpu.memory_space<smem>>
    } else {
    }
    %get3A = arith.constant 0 : index
    %get3A_2 = arith.constant 0 : index
    %get3A_3 = vector.load %arg1[%get3A, %get3A_2] : memref<256x128xf32, #tpu.memory_space<vmem>>, vector<256x128xf32>
    %get3A_4 = arith.constant 0 : index
    %get3A_5 = arith.constant 0 : index
    %get3A_6 = vector.load %arg2[%get3A_4, %get3A_5] : memref<256x128xi32, #tpu.memory_space<vmem>>, vector<256x128xi32>
    %eq3A_7 = arith.constant 1 : i32
    %eq3A_8 = vector.broadcast %eq3A_7 : i32 to vector<256x128xi32>
    %eq3A_9 = arith.cmpi eq, %get3A_6, %eq3A_8 : vector<256x128xi32>
    %sub3A = arith.constant 1.000000e+00 : f32
    %sub3A_10 = vector.broadcast %sub3A : f32 to vector<256x128xf32>
    %sub3A_11 = arith.subf %sub3A_10, %get3A_3 : vector<256x128xf32>
    %select_n3A = arith.select %eq3A_9, %get3A_3, %sub3A_11 : vector<256x128xi1>, vector<256x128xf32>
    %get3A_12 = arith.constant 0 : index
    %get3A_13 = memref.load %arg4[%get3A_12] : memref<1xf32, #tpu.memory_space<smem>>
    %log3A = math.log %select_n3A : vector<256x128xf32>
    %max3A = arith.constant -1.000000e+02 : f32
    %max3A_14 = vector.broadcast %max3A : f32 to vector<256x128xf32>
    %max3A_15 = arith.maximumf %log3A, %max3A_14 : vector<256x128xf32>
    %reduce_sum3A = vector.shape_cast %max3A_15 : vector<256x128xf32> to vector<1x256x128xf32>
    %reduce_sum3A_16 = arith.constant dense<0.000000e+00> : vector<1xf32>
    %reduce_sum3A_17 = vector.multi_reduction <add>, %reduce_sum3A, %reduce_sum3A_16 [1, 2] : vector<1x256x128xf32> to vector<1xf32>
    %reduce_sum3A_18 = vector.shape_cast %reduce_sum3A_17 : vector<1xf32> to vector<1x1x1xf32>
    %reduce_sum3A_19 = vector.extract %reduce_sum3A_18[0, 0, 0] : f32 from vector<1x1x1xf32>
    %add3A = arith.addf %get3A_13, %reduce_sum3A_19 : f32
    %swap3A = arith.constant 0 : index
    %swap3A_20 = memref.load %arg4[%swap3A] : memref<1xf32, #tpu.memory_space<smem>>
    memref.store %add3A, %arg4[%swap3A] : memref<1xf32, #tpu.memory_space<smem>>
    %eq3A_21 = arith.constant 31 : i32
    %eq3A_22 = arith.cmpi eq, %arg0, %eq3A_21 : i32
    %convert_element_type3A_23 = arith.extui %eq3A_22 : i1 to i32
    %cond3A_24 = arith.constant 0 : i32
    %cond3A_25 = arith.cmpi ne, %convert_element_type3A_23, %cond3A_24 : i32
    scf.if %cond3A_25 {
      %get3A_26 = arith.constant 0 : index
      %get3A_27 = memref.load %arg4[%get3A_26] : memref<1xf32, #tpu.memory_space<smem>>
      %swap3A_28 = arith.constant 0 : index
      %swap3A_29 = arith.constant 0 : index
      %swap3A_30 = memref.load %arg3[%swap3A_28, %swap3A_29] : memref<1x1xf32, #tpu.memory_space<smem>>
      memref.store %get3A_27, %arg3[%swap3A_28, %swap3A_29] : memref<1x1xf32, #tpu.memory_space<smem>>
    } else {
    }
    return
  }
  func.func @transform_0(%arg0: i32) -> (i32, i32) {
    %c0_i32 = arith.constant 0 : i32
    %c0_i32_0 = arith.constant 0 : i32
    return %arg0, %c0_i32 : i32, i32
  }
  func.func @transform_1(%arg0: i32) -> (i32, i32) {
    %c0_i32 = arith.constant 0 : i32
    %c0_i32_0 = arith.constant 0 : i32
    return %arg0, %c0_i32 : i32, i32
  }
  func.func @transform_2(%arg0: i32) -> (i32, i32) {
    %c0_i32 = arith.constant 0 : i32
    %c0_i32_0 = arith.constant 0 : i32
    %c0_i32_1 = arith.constant 0 : i32
    return %c0_i32, %c0_i32_0 : i32, i32
  }
}

</mosaic_0001>

<sc_bundles>
// kernel: kernel.5.cloned.1.call-start
scs
__scs_entry_jumppad:
0x0: {  	(pc) =	sbr.rel $0x88, $3  }
0x1: {  	(tag) =	ssettag $0x0;
	lr =	simm.s32 $0x1  }
0x2: {  	[smem:$0x3F9E] =	sst lr;
	_ =	strace $0xD0000000  }
0x3: {  	_ = 	snop  }
0x4: {  	_ = 	snop  }
0x5: {  	_ = 	snop  }
0x6: {  	_ = 	snop  }
0x7: {  	_ = 	snop  }
__scs_overlays_trampoline_lowered:
0x8: {  	[smem:$0x3FAD] =	sst s0  }
0x9: {  	[smem:$0x3FAE] =	sst s1  }
0xa: {  	[smem:$0x3FAF] =	sst s2  }
0xb: {  	[smem:$0x3FB0] =	sst s3  }
0xc: {  	[smem:$0x3FB1] =	sst s4  }
0xd: {  	[smem:$0x3FB2] =	sst s5  }
0xe: {  	[smem:$0x3FB3] =	sst s6  }
0xf: {  	[smem:$0x3FB4] =	sst s7  }
0x10: {  	[smem:$0x3FB5] =	sst s8  }
0x11: {  	[smem:$0x3FB6] =	sst s9;
	s0 =	simm.s32 @!p0 $0x0  }
0x12: {  	s1 =	sld [smem:$0x3F9C];
	s0 =	simm.s32 @p0 $0x1  }
0x13: {  	[smem:$0x3FB7] =	sst s0;
	s0 =	simm.s32 @!p1 $0x0  }
0x14: {  	s2 =	sld [smem:$0x3F9B];
	s0 =	simm.s32 @p1 $0x1  }
0x15: {  	[smem:$0x3FB8] =	sst s0;
	s0 =	simm.s32 @!p2 $0x0  }
0x16: {  	s3 =	sld [smem:$0x3FDB];
	s0 =	simm.s32 @p2 $0x1  }
0x17: {  	s4 =	simm.s32 $0x1BF5;
	[smem:$0x3FBA] =	sst s0  }
0x18: {  	s0 =	sld [smem:$0x3F9D];
	_ =	swait.ge [sflag:s4], $0x0  }
0x19: {  	s7 =	sld [smem:$0x3F9E]  }
0x1a: {  	s8 =	sadd.s32 $0xFFFFE003, lr  }
0x1b: {  	s9 =	sadd.s32 $0xFFFFFEF7, lr;
	s5 =	simm.s32 $0xFFFFFFFF;
	p2 =	slt.u32 s8, $0xFFFFF086  }
0x1c: {  	p1 =	slt.u32 s9, $0xF7A;
	s5 =	simm.s32 @!p2 $0x0  }
0x1d: {  	s5 =	simm.s32 @p1 $0x1;
	p0 =	seq.s32 s7, s2  }
0x1e: {  	s7 =	smul.u32 @!p0 $0xF7A, s2;
	p2 =	seq.s32 @!p0 s5, $0x0  }
0x1f: {  	s9 =	smul.u32 $0xF7A, s1;
	s8 =	simm.s32 @!p0 $0x1BF5;
	p2 =	por !p2, p0  }
0x20: {  	[sflag:s8] =	ssyncset.s32 @!p0 $0xFFFFF086;
	s6 =	sadd.s32 @!p0 s3, s7;
	s7 =	simm.s32 @!p0 $0x108  }
0x21: {  	s3 =	sadd.s32 s3, s9;
	s6 =	sadd.s32 @!p0 $0x88, s6;
	s7 =	simm.s32 @p2 $0x1082  }
0x22: {  	[simem:s7], [sflag:s8] =	dma.local @!p0 [hbm:s6], $0xF7A  }
0x23: {  	s9 =	sor.u32 $0xD0000000, s2;
	s6 =	simm.s32 $0x108;
	_ =	swait.ge @!p0 [sflag:s8], $0x0  }
0x24: {  	s3 =	sadd.s32 $0x88, s3;
	s6 =	simm.s32 @!p1 $0x1082;
	[sflag:s4] =	ssyncset.s32 $0xFFFFF086  }
0x25: {  	[simem:s6], [sflag:s4] =	dma.local [hbm:s3], $0xF7A  }
0x26: {  	[smem:$0x3F9E] =	sst s1;
	(tag) =	ssettag s2;
	_ =	strace s9  }
0x27: {  	s1 =	sld [smem:$0x3FAE]  }
0x28: {  	s2 =	sld [smem:$0x3FAF]  }
0x29: {  	s4 =	sld [smem:$0x3FB1]  }
0x2a: {  	p0 =	seq.s32 s5, $0x0;
	s5 =	sld [smem:$0x3FB2]  }
0x2b: {  	s6 =	sld [smem:$0x3FB3]  }
0x2c: {  	s7 =	sld [smem:$0x3FB4]  }
0x2d: {  	s3 =	simm.s32 $0x108;
	s8 =	sld [smem:$0x3FB5]  }
0x2e: {  	s3 =	simm.s32 @!p0 $0x1082;
	s9 =	sld [smem:$0x3FB6]  }
0x2f: {  	lr =	sadd.s32 s0, s3;
	s0 =	sld [smem:$0x3FAD]  }
0x30: {  	s3 =	sld [smem:$0x3FB0]  }
0x31: {  	[smem:$0x3FB9] =	sst s10  }
0x32: {  	s10 =	sld [smem:$0x3FB7];
	_ =	sdelay $0x3  }
0x33: {  	p0 =	seq.s32 s10, $0x1;
	s10 =	sld [smem:$0x3FB9];
	_ =	sdelay $0x3  }
0x34: {  	[smem:$0x3FB9] =	sst s10  }
0x35: {  	s10 =	sld [smem:$0x3FB8];
	_ =	sdelay $0x3  }
0x36: {  	p1 =	seq.s32 s10, $0x1;
	s10 =	sld [smem:$0x3FB9];
	_ =	sdelay $0x3  }
0x37: {  	[smem:$0x3FB9] =	sst s10  }
0x38: {  	s10 =	sld [smem:$0x3FBA]  }
0x39: {  	_ = 	snop;
	(pc) =	sbr.ind lr, $3  }
0x3a: {  	_ = 	snop  }
0x3b: {  	_ = 	snop  }
0x3c: {  	p2 =	seq.s32 s10, $0x1;
	s10 =	sld [smem:$0x3FB9]  }
0x3d: {  	_ =	shalt  }
0x3e: {  	_ =	shalt  }
0x3f: {  	_ =	shalt  }
0x40: {  	_ =	shalt  }
0x41: {  	_ =	shalt  }
0x42: {  	_ =	shalt  }
0x43: {  	_ =	shalt  }
0x44: {  	_ =	shalt  }
0x45: {  	_ =	shalt  }
0x46: {  	_ =	shalt  }
0x47: {  	_ =	shalt  }
0x48: {  	_ =	shalt  }
0x49: {  	_ =	shalt  }
0x4a: {  	_ =	shalt  }
0x4b: {  	_ =	shalt  }
0x4c: {  	_ =	shalt  }
0x4d: {  	_ =	shalt  }
0x4e: {  	_ =	shalt  }
0x4f: {  	_ =	shalt  }
0x50: {  	_ =	shalt  }
0x51: {  	_ =	shalt  }
0x52: {  	_ =	shalt  }
0x53: {  	_ =	shalt  }
0x54: {  	_ =	shalt  }
0x55: {  	_ =	shalt  }
0x56: {  	_ =	shalt  }
0x57: {  	_ =	shalt  }
0x58: {  	_ =	shalt  }
0x59: {  	_ =	shalt  }
0x5a: {  	_ =	shalt  }
0x5b: {  	_ =	shalt  }
0x5c: {  	_ =	shalt  }
0x5d: {  	_ =	shalt  }
0x5e: {  	_ =	shalt  }
0x5f: {  	_ =	shalt  }
0x60: {  	_ =	shalt  }
0x61: {  	_ =	shalt  }
0x62: {  	_ =	shalt  }
0x63: {  	_ =	shalt  }
0x64: {  	_ =	shalt  }
0x65: {  	_ =	shalt  }
0x66: {  	_ =	shalt  }
0x67: {  	_ =	shalt  }
0x68: {  	_ =	shalt  }
0x69: {  	_ =	shalt  }
0x6a: {  	_ =	shalt  }
0x6b: {  	_ =	shalt  }
0x6c: {  	_ =	shalt  }
0x6d: {  	_ =	shalt  }
0x6e: {  	_ =	shalt  }
0x6f: {  	_ =	shalt  }
0x70: {  	_ =	shalt  }
0x71: {  	_ =	shalt  }
0x72: {  	_ =	shalt  }
0x73: {  	_ =	shalt  }
0x74: {  	_ =	shalt  }
0x75: {  	_ =	shalt  }
0x76: {  	_ =	shalt  }
0x77: {  	_ =	shalt  }
0x78: {  	_ =	shalt  }
0x79: {  	_ =	shalt  }
0x7a: {  	_ =	shalt  }
0x7b: {  	_ =	shalt  }
0x7c: {  	_ =	shalt  }
0x7d: {  	_ =	shalt  }
0x7e: {  	_ =	shalt  }
0x7f: {  	_ =	shalt  }
0x80: {  	_ =	shalt  }
0x81: {  	_ =	shalt  }
0x82: {  	_ =	shalt  }
0x83: {  	_ =	shalt  }
0x84: {  	_ =	shalt  }
0x85: {  	_ =	shalt  }
0x86: {  	_ =	shalt  }
0x87: {  	_ =	shalt  }
.Lfunc_end0:
.L_simem_size_0:
called_computation_lowered:
.L_overlay_start_0:
0x88: {  	s2 =	sld [smem:$0x3FD9]  }
0x89: {  	s3 =	sld [smem:$0x3FFE];
	_ =	sdelay $0x1  }
0x8a: {  	s1 =	srdreg.scid  }
0x8b: {  	s0 =	sand.u32 $0x1, s1  }
0x8c: {  	s17 =	sshll.u32 s0, $0xA;
	s2 =	sadd.s32 s3, s2  }
0x8d: {  	s2 =	sadd.s32 s2, s17  }
0x8e: {  	[smem:$0x3FC5] =	sst s2  }
0x8f: {  	_ = 	snop  }
0x90: {  	s2 =	sld [smem:$0x3FC9]  }
0x91: {  	s18 =	sld [smem:$0x3FC8]  }
0x92: {  	s4 =	sld [smem:$0x3FC7];
	(tm) =	ssettm $0x1  }
0x93: {  	s5 =	sld [smem:$0x3FFB];
	_ =	sdelay $0x3  }
0x94: {  	_ =	strace s5  }
0x95: {  	s5 =	sld [smem:$0x3FFC];
	_ =	sdelay $0x3  }
0x96: {  	_ =	strace s5  }
0x97: {  	s5 =	sld [smem:$0x3FFD];
	_ =	sdelay $0x3  }
0x98: {  	_ =	strace s5  }
0x99: {  	_ =	strace $0x8FFFFFFF  }
0x9a: {  	s19 =	sld [smem:$0x3FDB];
	_ =	sdelay $0x1  }
0x9b: {  	s6 =	simm.s32 $_scs_section_size  }
0x9c: {  	s7 =	simm.s32 $_size__tile_overlayer_lowered;
	s8 =	simm.s32 $_tile_overlayer_lowered  }
0x9d: {  	s22 =	simm.s32 $0x1BFF;
	s21 =	sshll.u32 s8, $0x1;
	s5 =	sadd.s32 s6, s19  }
0x9e: {  	s9 =	simm.s32 $0x0;
	s20 =	sshll.u32 s7, $0x1;
	s7 =	sadd.s32 s21, s5  }
0x9f: {  	[timem:s9], [sflag:s22] =	dma.local [hbm:s7], s20  }
0xa0: {  	_ =	swait.ge [sflag:s22], s20  }
0xa1: {  	s6 =	ssub.s32 $0x0, s20;
	[sflag:s22] =	ssyncset.done $0x0  }
0xa2: {  	[sflag:s22] =	ssyncadd.s32 s6;
	_ =	sdelay $0x1  }
0xa3: {  	s23 =	simm.s32 $0x1B8B  }
0xa4: {  	_ =	swait.ge [sflag:s23], $0x1  }
0xa5: {  	[sflag:s23] =	ssyncset.done $0x0  }
0xa6: {  	s25 =	simm.s32 $0x1B8E;
	s24 =	sld [smem:$0x3FFE];
	[sflag:s23] =	ssyncadd.s32 $0xFFFFFFFF  }
0xa7: {  	s26 =	simm.s32 $execute0_lowered;
	[smem:$0x3FD2] =	sst s25  }
0xa8: {  	s7 =	sshll.u32 s26, $0x1;
	_ =	strace $0x80000046;
	[dreg:$0x1] =	wrdreg $0xFFFFFFFF  }
0xa9: {  	s28 =	simm.s32 $_size_execute0_lowered;
	s5 =	sadd.s32 s5, s7;
	[dreg:$0x0] =	wrdreg $0x0  }
0xaa: {  	s7 =	sshll.u32 s28, $0x1;
	[dreg:$0x2] =	wrdreg s5  }
0xab: {  	[dreg:$0x3] =	wrdreg s7  }
0xac: {  	[dreg:$0x4] =	wrdreg $0xC0  }
0xad: {  	_ =	task [dreg:s9], $0x5FFFF  }
0xae: {  	[dreg:$0x1] =	wrdreg $0xFFFFFFFF  }
0xaf: {  	[dreg:$0x0] =	wrdreg $0x60  }
0xb0: {  	[dreg:$0x2] =	wrdreg s2  }
0xb1: {  	[dreg:$0x3] =	wrdreg s18  }
0xb2: {  	[dreg:$0x4] =	wrdreg s4  }
0xb3: {  	[dreg:$0x5] =	wrdreg s24  }
0xb4: {  	[dreg:$0x6] =	wrdreg $0x9  }
0xb5: {  	_ =	task.clear_ibuf [dreg:s9], $0x7FFFF;
	_ =	strace $0x90000046  }
0xb6: {  	s29 =	simm.s32 $0x9;
	_ =	strace $0x80000048  }
0xb7: {  	_ =	swait.ge [sflag:s29], $0x1  }
0xb8: {  	[sflag:s29] =	ssyncadd.s32 $0xFFFFFFFF  }
0xb9: {  	_ =	strace $0x90000048  }
0xba: {  	_ =	sfence  }
0xbb: {  	s30 =	sld [smem:$0x0];
	_ =	sdelay $0x2  }
0xbc: {  	s31 =	sshll.u32 s1, $0xD;
	s1 =	sshrl.u32 s1, $0x2  }
0xbd: {  	s3 =	sand.u32 $0x4000, s31;
	s1 =	sadd.s32 s1, s30  }
0xbe: {  	s0 =	sor.u32 s3, s0;
	s1 =	sshll.u32 s1, $0x11  }
0xbf: {  	s0 =	sor.u32 s1, s0  }
0xc0: {  	s0 =	sadd.s32 $0x8F2B, s0  }
0xc1: {  	[sflag:s0] =	ssyncadd.remote.s32 $0x1  }
0xc2: {  	_ =	sfence.sel $0xFFFF  }
0xc3: {  	[dreg:$0x0] =	wrdreg $0xFFFFFFFF;
	(pc) =	sbr.abs _section_cstart, $3  }
0xc4: {  	[dreg:$0x1] =	wrdreg $0xFFFFFFFF  }
0xc5: {  	_ =	task.clear_ibuf [dreg:s9], $0x2FFFF;
	_ =	strace $0x9FFFFFFF  }
0xc6: {  	(tm) =	ssettm $0x7FFFFFFF  }
0xc7: {  	_ =	shalt  }
tec
execute0_lowered:
.L_overlay_start_1:
0x0: {  	(tag) =	ssettag $0x1  }
0x1: {  	s1 =	rddreg [dreg:$0x0]  }
0x2: {  	s3 =	rddreg [dreg:$0x1]  }
0x3: {  	s0 =	rddreg [dreg:$0x2]  }
0x4: {  	s2 =	srdreg.scid;
	s7 =	stileid.u32  }
0x5: {  	s4 =	rddreg [dreg:$0x3];
	s28 =	simm.s32 $0xE100;
	s29 =	simm.s32 $0x10100  }
0x6: {  	s30 =	simm.s32 $0x12100;
	s31 =	simm.s32 $0x2;
	s5 =	sand.u32 $0x1, s2  }
0x7: {  	v0 =	vimm.f32 $0.0e+00;
	vm0 =	vcmask $0x3F3C;
	s18 =	sshll.u32 s7, $0x1;
	s2 =	simm.s32 $0x0;
	s7 =	sshll.u32 s7, $0xB  }
0x8: {  	v1 =	vimm.f32 $1.600000000e+01;
	vm1 =	vcmask $0x300;
	v2 =	vimm.f32 $-1.600000000e+01;
	s6 =	sor.u32 s5, s18;
	[smem:$0x7FF] =	sst s2;
	s5 =	ssub.s32 $0x2, s5  }
0x9: {  	v1 =	vsel vm1, $0x3F800000, v1;
	v2 =	vsel vm1, $0xBF800000, v2;
	vm1 =	vcmask $0x704;
	s8 =	sshll.u32 s6, $0x4;
	_ =	strace $0x80000047;
	s19 =	sshrl.u32 s5, $0x1  }
0xa: {  	v1 =	vsel vm1, $0x40000000, v1;
	v2 =	vsel vm1, $0xC0000000, v2;
	vm1 =	vcmask $0xB08;
	s6 =	sshll.u32 s6, $0xC;
	s7 =	sor.u32 s7, s8;
	s5 =	ssub.s32 s5, s19  }
0xb: {  	v1 =	vsel vm1, $0x40400000, v1;
	v2 =	vsel vm1, $0xC0400000, v2;
	vm1 =	vcmask $0xF0C;
	s20 =	sadd.s32 s1, s6;
	s21 =	sor.u32 $0x400, s6;
	s22 =	sadd.s32 s3, s6  }
0xc: {  	v1 =	vsel vm1, $0x40800000, v1;
	v2 =	vsel vm1, $0xC0800000, v2;
	vm1 =	vcmask $0x1310;
	s23 =	sadd.s32 s0, s6;
	s26 =	sor.u32 $0x800, s6;
	[dreg:$0x5] =	wrdreg s20  }
0xd: {  	s6 =	sor.u32 $0xC00, s6;
	s7 =	sand.u32 $0x6070, s7;
	[dreg:$0x6] =	wrdreg s22;
	v1 =	vsel vm1, $0x40A00000, v1;
	v2 =	vsel vm1, $0xC0A00000, v2;
	vm1 =	vcmask $0x1714  }
0xe: {  	[dreg:$0x7] =	wrdreg s23;
	s24 =	sadd.s32 s1, s21;
	s25 =	sadd.s32 s3, s21;
	v1 =	vsel vm1, $0x40C00000, v1;
	v2 =	vsel vm1, $0xC0C00000, v2;
	vm1 =	vcmask $0x1B18  }
0xf: {  	s9 =	sadd.s32 s1, s26;
	s10 =	sadd.s32 s3, s26;
	s11 =	sadd.s32 s0, s26;
	v1 =	vsel vm1, $0x40E00000, v1;
	v2 =	vsel vm1, $0xC0E00000, v2;
	vm1 =	vcmask $0x1F1C  }
0x10: {  	s12 =	sadd.s32 s1, s6;
	s13 =	sadd.s32 s3, s6;
	s14 =	sadd.s32 s0, s6;
	v1 =	vsel vm1, $0x41000000, v1;
	v2 =	vsel vm1, $0xC1000000, v2;
	vm1 =	vcmask $0x2320  }
0x11: {  	s19 =	smax.u32 s5, $0x1;
	s20 =	simm.s32 $0x4000;
	s22 =	simm.s32 $0x2000;
	v1 =	vsel vm1, $0x41100000, v1;
	v2 =	vsel vm1, $0xC1100000, v2;
	vm1 =	vcmask $0x2724  }
0x12: {  	s23 =	simm.s32 $0x6000;
	s26 =	simm.s32 $0xC100;
	s1 =	simm.s32 $0x80;
	v1 =	vsel vm1, $0x41200000, v1;
	v2 =	vsel vm1, $0xC1200000, v2;
	vm1 =	vcmask $0x2B28  }
0x13: {  	s3 =	simm.s32 $0x3;
	s4 =	sadd.s32 s7, s4;
	[dreg:$0x8] =	wrdreg s24;
	v1 =	vsel vm1, $0x41300000, v1;
	v2 =	vsel vm1, $0xC1300000, v2;
	vm1 =	vcmask $0x2F2C  }
0x14: {  	[dreg:$0x9] =	wrdreg s25;
	s7 =	sadd.s32 s0, s21;
	s21 =	simm.s32 $0x8000;
	v1 =	vsel vm1, $0x41400000, v1;
	v2 =	vsel vm1, $0xC1400000, v2;
	vm1 =	vcmask $0x3330  }
0x15: {  	s24 =	simm.s32 $0xA080;
	s25 =	simm.s32 $0x1;
	s0 =	simm.s32 $0x400;
	v1 =	vsel vm1, $0x41500000, v1;
	v2 =	vsel vm1, $0xC1500000, v2;
	vm1 =	vcmask $0x3734  }
0x16: {  	[dreg:$0xa] =	wrdreg s7;
	s15 =	sadd.s32 $0xA00, s4;
	s16 =	sadd.s32 $0x8A00, s4;
	v1 =	vsel vm1, $0x41600000, v1;
	v2 =	vsel vm1, $0xC1600000, v2;
	vm1 =	vcmask $0x3B38  }
0x17: {  	s17 =	sadd.s32 $0x10A00, s4;
	s18 =	sadd.s32 $0x18A00, s4;
	s4 =	simm.s32 $0x0;
	v1 =	vsel vm1, $0x41700000, v1;
	v2 =	vsel vm1, $0xC1700000, v2;
	vm1 =	vmmov $0x7fff  }
.LBB2_1:
0x18: {  	s5 =	rddreg [dreg:$0x5]  }
0x19: {  	[tilespmem:s2], [sflag:$0x1] =	stream.linear.gather [hbm4b:s5+s2], $0x2000, $0x38;
	[tilespmem:$0x14100] =	vst v63  }
0x1a: {  	s7 =	rddreg [dreg:$0x6]  }
0x1b: {  	[tilespmem:s20], [sflag:$0x1] =	stream.linear.gather [hbm4b:s7+s2], $0x2000, $0x38;
	[tilespmem:$0x14100] =	vst v63  }
0x1c: {  	s8 =	rddreg [dreg:$0x7]  }
0x1d: {  	[tilespmem:s21], [sflag:$0x1] =	stream.linear.gather [hbm4b:s8+s2], $0x2000, $0x38;
	[tilespmem:$0x14100] =	vst v63  }
0x1e: {  	s6 =	rddreg [dreg:$0x8]  }
0x1f: {  	[tilespmem:s22], [sflag:$0x2] =	stream.linear.gather [hbm4b:s6+s2], $0x2000, $0x38;
	[tilespmem:$0x14100] =	vst v63  }
0x20: {  	s7 =	rddreg [dreg:$0x9]  }
0x21: {  	[tilespmem:s23], [sflag:$0x2] =	stream.linear.gather [hbm4b:s7+s2], $0x2000, $0x38;
	[tilespmem:$0x14100] =	vst v63  }
0x22: {  	s5 =	simm.s32 $0x0;
	s8 =	rddreg [dreg:$0xa];
	s6 =	simm.s32 $0x40  }
0x23: {  	[tilespmem:s24], [sflag:$0x2] =	stream.linear.gather [hbm4b:s8+s2], $0x2000, $0x38;
	[tilespmem:$0x14100] =	vst v63  }
.LBB2_2:
0x24: {  	p0 =	sne.s32 s6, $0x7FC0;
	[tilespmem:s5+$0x12100] =	vst v0;
	s7 =	smov.u32 s6;
	s6 =	sadd.s32 $0x40, s6  }
.Ltmp0:
0x25: {  	[tilespmem:s5+$0x10100] =	vst v0;
	(pc) =	sbr.rel @p0 .LBB2_2-.Ltmp0, $3  }
0x26: {  	[tilespmem:s5+$0xC100] =	vst v0  }
0x27: {  	[tilespmem:s5+$0xE100] =	vst v0;
	_ =	sdelay $0x1  }
0x28: {  	s5 =	sshra.s32 s7, $0x2  }
0x29: {  	[tilespmem:s5+$0x12100] =	vst v0  }
0x2a: {  	[tilespmem:s5+$0x10100] =	vst v0  }
0x2b: {  	[tilespmem:s5+$0xC100] =	vst v0  }
0x2c: {  	[tilespmem:s5+$0xE100] =	vst v0  }
0x2d: {  	_ =	swait.ge [sflag:s25], $0x2000  }
0x2e: {  	[sflag:s25] =	ssyncset.done $0x0  }
0x2f: {  	[sflag:s25] =	ssyncadd.s32 $0xFFFFE000  }
0x30: {  	_ =	swait.ge [sflag:s25], $0x2000  }
0x31: {  	[sflag:s25] =	ssyncset.done $0x0  }
0x32: {  	[sflag:s25] =	ssyncadd.s32 $0xFFFFE000  }
0x33: {  	_ =	swait.ge [sflag:s25], $0x2000  }
0x34: {  	[sflag:s25] =	ssyncset.done $0x0  }
0x35: {  	[sflag:s25] =	ssyncadd.s32 $0xFFFFE000  }
0x36: {  	[tilespmem:s2], [sflag:$0x1] =	stream.linear.gather [hbm4b:s9+s2], $0x2000, $0x38;
	[tilespmem:$0x14100] =	vst v63  }
0x37: {  	s5 =	simm.s32 $0xFFFFFFF8  }
0x38: {  	[tilespmem:s20], [sflag:$0x1] =	stream.linear.gather [hbm4b:s10+s2], $0x2000, $0x38;
	[tilespmem:$0x14100] =	vst v63  }
0x39: {  	s6 =	simm.s32 $0x8040;
	s7 =	simm.s32 $0x4040;
	s8 =	simm.s32 $0x40  }
0x3a: {  	[tilespmem:s21], [sflag:$0x1] =	stream.linear.gather [hbm4b:s11+s2], $0x2000, $0x38;
	[tilespmem:$0x14100] =	vst v63  }
.LBB2_4:
0x3b: {  	v3 =	vld [tilespmem:s7+$0xFFFFFFC0];
	_ =	sdelay $0x1  }
0x3c: {  	v4 =	vld [tilespmem:s8+$0xFFFFFFC0];
	_ =	sdelay $0x1  }
0x3d: {  	v5 =	vld [tilespmem:s6+$0xFFFFFFC0]  }
0x3e: {  	v6 =	vld [tilespmem:s6+$0xFFFFFFC1];
	v3 =	vcvt.s32.f32 v3  }
0x3f: {  	v22 =	vld [tilespmem:s7+$0xFFFFFFD0]  }
0x40: {  	v7 =	vld [tilespmem:s6+$0xFFFFFFD0];
	(xrf2) =	vadd.scan.msk.f32 $0xffff, v4;
	v4 =	vmul.f32 v3, v4  }
0x41: {  	v8 =	vld [tilespmem:s6+$0xFFFFFFD1]  }
0x42: {  	v23 =	vld [tilespmem:s7+$0xFFFFFFE0];
	(xrf2) =	vadd.scan.msk.f32 $0xffff, v4  }
0x43: {  	v24 =	vld [tilespmem:s8+$0xFFFFFFE0];
	(xrf2) =	vadd.scan.msk.f32 $0xffff, v3  }
0x44: {  	v25 =	vld [tilespmem:s6+$0xFFFFFFE0];
	vm2 =	vne.s32 v5, v6  }
0x45: {  	v26 =	vld [tilespmem:s6+$0xFFFFFFE1];
	vm3 =	vmor vm2, vm0  }
0x46: {  	v3 =	vld [tilespmem:s8+$0xFFFFFFD0]  }
0x47: {  	v30 =	vld [tilespmem:s7+$0xFFFFFFF0]  }
0x48: {  	v32 =	vld [tilespmem:s6+$0xFFFFFFF0]  }
0x49: {  	v33 =	vld [tilespmem:s6+$0xFFFFFFF1];
	vm2 =	vmand vm2, vm1;
	v4 =	vcvt.s32.f32 v22  }
0x4a: {  	v37 =	vld [tilespmem:s7+$0x0];
	v9, _, _ =	vpop (xrf2)  }
0x4b: {  	(xrf2) =	vadd.scan.msk.f32 $0xffff, v3;
	v3 =	vmul.f32 v4, v3;
	[tilespmem:v5+s26+$0x0] =	vst.idx.add.f32.msk vm3, v9  }
0x4c: {  	[tilespmem:v5+s28+$0x0] =	vst.idx.add.f32.msk vm3, v1;
	v10, _, _ =	vpop (xrf2)  }
0x4d: {  	v9 =	vsub.f32 $0.0e+00, v9;
	(xrf2) =	vadd.scan.msk.f32 $0xffff, v3;
	v11, _, _ =	vpop (xrf2);
	[tilespmem:v5+s29+$0x0] =	vst.idx.add.f32.msk vm3, v10  }
0x4e: {  	(xrf2) =	vadd.scan.msk.f32 $0xffff, v4;
	[tilespmem:v5+s30+$0x0] =	vst.idx.add.f32.msk vm3, v11  }
0x4f: {  	v3 =	vsub.f32 $0.0e+00, v10;
	vm3 =	vne.s32 v7, v8;
	[tilespmem:v6+s26+$0x0] =	vst.idx.add.f32.msk vm2, v9  }
0x50: {  	vm4 =	vmor vm3, vm0;
	[tilespmem:v6+s28+$0x0] =	vst.idx.add.f32.msk vm2, v2  }
0x51: {  	[tilespmem:v6+s29+$0x0] =	vst.idx.add.f32.msk vm2, v3;
	v3 =	vsub.f32 $0.0e+00, v11  }
0x52: {  	v38 =	vld [tilespmem:s8+$0x0];
	(xrf2) =	vadd.scan.msk.f32 $0xffff, v24  }
0x53: {  	v39 =	vld [tilespmem:s6+$0x0];
	v4 =	vcvt.s32.f32 v23  }
0x54: {  	[tilespmem:v6+s30+$0x0] =	vst.idx.add.f32.msk vm2, v3;
	vm2 =	vmand vm3, vm1  }
0x55: {  	v40 =	vld [tilespmem:s6+$0x1];
	v5 =	vmul.f32 v4, v24;
	v3, _, _ =	vpop (xrf2)  }
0x56: {  	vm3 =	vne.s32 v25, v26;
	[tilespmem:v7+s26+$0x0] =	vst.idx.add.f32.msk vm4, v3  }
0x57: {  	vm11 =	vmor vm3, vm0;
	v27, _, _ =	vpop (xrf2);
	(xrf2) =	vadd.scan.msk.f32 $0xffff, v5;
	[tilespmem:v7+s28+$0x0] =	vst.idx.add.f32.msk vm4, v1  }
0x58: {  	v3 =	vsub.f32 $0.0e+00, v3;
	v28, _, _ =	vpop (xrf2);
	(xrf2) =	vadd.scan.msk.f32 $0xffff, v4;
	[tilespmem:v7+s29+$0x0] =	vst.idx.add.f32.msk vm4, v27  }
0x59: {  	[tilespmem:v7+s30+$0x0] =	vst.idx.add.f32.msk vm4, v28  }
0x5a: {  	[tilespmem:v8+s26+$0x0] =	vst.idx.add.f32.msk vm2, v3  }
0x5b: {  	v3 =	vld [tilespmem:s8+$0xFFFFFFF0]  }
0x5c: {  	v43 =	vld [tilespmem:s8+$0x10];
	v34, _, _ =	vpop (xrf2)  }
0x5d: {  	[tilespmem:v25+s26+$0x0] =	vst.idx.add.f32.msk vm11, v34  }
0x5e: {  	vm3 =	vmand vm3, vm1;
	v5 =	vcvt.s32.f32 v30;
	v29 =	vsub.f32 $0.0e+00, v27;
	[tilespmem:v8+s28+$0x0] =	vst.idx.add.f32.msk vm2, v2  }
0x5f: {  	v31 =	vsub.f32 $0.0e+00, v28;
	[tilespmem:v25+s28+$0x0] =	vst.idx.add.f32.msk vm11, v1  }
0x60: {  	[tilespmem:v8+s29+$0x0] =	vst.idx.add.f32.msk vm2, v29;
	(xrf2) =	vadd.scan.msk.f32 $0xffff, v3;
	v3 =	vmul.f32 v5, v3  }
0x61: {  	[tilespmem:v8+s30+$0x0] =	vst.idx.add.f32.msk vm2, v31;
	v35, _, _ =	vpop (xrf2)  }
0x62: {  	v4 =	vsub.f32 $0.0e+00, v34;
	v36, _, _ =	vpop (xrf2);
	[tilespmem:v25+s29+$0x0] =	vst.idx.add.f32.msk vm11, v35;
	(xrf2) =	vadd.scan.msk.f32 $0xffff, v3  }
0x63: {  	[tilespmem:v25+s30+$0x0] =	vst.idx.add.f32.msk vm11, v36;
	(xrf2) =	vadd.scan.msk.f32 $0xffff, v5  }
0x64: {  	vm2 =	vne.s32 v32, v33;
	v3 =	vsub.f32 $0.0e+00, v35;
	[tilespmem:v26+s26+$0x0] =	vst.idx.add.f32.msk vm3, v4  }
0x65: {  	vm12 =	vmor vm2, vm0;
	[tilespmem:v26+s28+$0x0] =	vst.idx.add.f32.msk vm3, v2  }
0x66: {  	[tilespmem:v26+s29+$0x0] =	vst.idx.add.f32.msk vm3, v3;
	v3 =	vsub.f32 $0.0e+00, v36  }
0x67: {  	v44 =	vld [tilespmem:s7+$0x10]  }
0x68: {  	v45 =	vld [tilespmem:s6+$0x10]  }
0x69: {  	v46 =	vld [tilespmem:s6+$0x11];
	vm2 =	vmand vm2, vm1;
	v4 =	vcvt.s32.f32 v37  }
0x6a: {  	[tilespmem:v26+s30+$0x0] =	vst.idx.add.f32.msk vm3, v3;
	v3, _, _ =	vpop (xrf2)  }
0x6b: {  	(xrf2) =	vadd.scan.msk.f32 $0xffff, v38;
	v5 =	vmul.f32 v4, v38;
	[tilespmem:v32+s26+$0x0] =	vst.idx.add.f32.msk vm12, v3  }
0x6c: {  	v41, _, _ =	vpop (xrf2);
	[tilespmem:v32+s28+$0x0] =	vst.idx.add.f32.msk vm12, v1  }
0x6d: {  	(xrf2) =	vadd.scan.msk.f32 $0xffff, v5;
	v3 =	vsub.f32 $0.0e+00, v3;
	v42, _, _ =	vpop (xrf2);
	[tilespmem:v32+s29+$0x0] =	vst.idx.add.f32.msk vm12, v41  }
0x6e: {  	(xrf2) =	vadd.scan.msk.f32 $0xffff, v4;
	[tilespmem:v32+s30+$0x0] =	vst.idx.add.f32.msk vm12, v42  }
0x6f: {  	vm3 =	vne.s32 v39, v40;
	[tilespmem:v33+s26+$0x0] =	vst.idx.add.f32.msk vm2, v3;
	v3 =	vsub.f32 $0.0e+00, v41  }
0x70: {  	vm13 =	vmor vm3, vm0;
	[tilespmem:v33+s28+$0x0] =	vst.idx.add.f32.msk vm2, v2  }
0x71: {  	[tilespmem:v33+s29+$0x0] =	vst.idx.add.f32.msk vm2, v3;
	v3 =	vsub.f32 $0.0e+00, v42  }
0x72: {  	v49 =	vld [tilespmem:s7+$0x20]  }
0x73: {  	v50 =	vld [tilespmem:s8+$0x20]  }
0x74: {  	v51 =	vld [tilespmem:s6+$0x20];
	vm3 =	vmand vm3, vm1  }
0x75: {  	v5 =	vcvt.s32.f32 v44;
	[tilespmem:v33+s30+$0x0] =	vst.idx.add.f32.msk vm2, v3;
	v3, _, _ =	vpop (xrf2)  }
0x76: {  	(xrf2) =	vadd.scan.msk.f32 $0xffff, v43;
	[tilespmem:v39+s26+$0x0] =	vst.idx.add.f32.msk vm13, v3  }
0x77: {  	v4 =	vmul.f32 v5, v43;
	v47, _, _ =	vpop (xrf2);
	[tilespmem:v39+s28+$0x0] =	vst.idx.add.f32.msk vm13, v1  }
0x78: {  	v3 =	vsub.f32 $0.0e+00, v3;
	v48, _, _ =	vpop (xrf2);
	[tilespmem:v39+s29+$0x0] =	vst.idx.add.f32.msk vm13, v47  }
0x79: {  	(xrf2) =	vadd.scan.msk.f32 $0xffff, v4;
	[tilespmem:v39+s30+$0x0] =	vst.idx.add.f32.msk vm13, v48  }
0x7a: {  	(xrf2) =	vadd.scan.msk.f32 $0xffff, v5;
	[tilespmem:v40+s26+$0x0] =	vst.idx.add.f32.msk vm3, v3;
	v3 =	vsub.f32 $0.0e+00, v47  }
0x7b: {  	vm2 =	vne.s32 v45, v46;
	[tilespmem:v40+s28+$0x0] =	vst.idx.add.f32.msk vm3, v2  }
0x7c: {  	vm14 =	vmor vm2, vm0;
	[tilespmem:v40+s29+$0x0] =	vst.idx.add.f32.msk vm3, v3;
	v3 =	vsub.f32 $0.0e+00, v48  }
0x7d: {  	v52 =	vld [tilespmem:s6+$0x21]  }
0x7e: {  	v54 =	vld [tilespmem:s7+$0x30];
	v4 =	vcvt.s32.f32 v49  }
0x7f: {  	v56 =	vld [tilespmem:s8+$0x30]  }
0x80: {  	vm2 =	vmand vm2, vm1;
	v5 =	vmul.f32 v4, v50;
	[tilespmem:v40+s30+$0x0] =	vst.idx.add.f32.msk vm3, v3;
	v3, _, _ =	vpop (xrf2);
	(xrf2) =	vadd.scan.msk.f32 $0xffff, v50  }
0x81: {  	v57 =	vld [tilespmem:s6+$0x30]  }
0x82: {  	[tilespmem:v45+s26+$0x0] =	vst.idx.add.f32.msk vm14, v3;
	(xrf2) =	vadd.scan.msk.f32 $0xffff, v5  }
0x83: {  	v53, _, _ =	vpop (xrf2);
	[tilespmem:v45+s28+$0x0] =	vst.idx.add.f32.msk vm14, v1;
	(xrf2) =	vadd.scan.msk.f32 $0xffff, v4  }
0x84: {  	vm3 =	vne.s32 v51, v52;
	v3 =	vsub.f32 $0.0e+00, v3;
	v55, _, _ =	vpop (xrf2);
	[tilespmem:v45+s29+$0x0] =	vst.idx.add.f32.msk vm14, v53  }
0x85: {  	vm15 =	vmor vm3, vm0;
	[tilespmem:v45+s30+$0x0] =	vst.idx.add.f32.msk vm14, v55  }
0x86: {  	[tilespmem:v46+s26+$0x0] =	vst.idx.add.f32.msk vm2, v3;
	v3 =	vcvt.s32.f32 v54  }
0x87: {  	v58 =	vld [tilespmem:s6+$0x31];
	v10 =	vsub.f32 $0.0e+00, v53  }
0x88: {  	v5 =	vsub.f32 $0.0e+00, v55;
	(xrf2) =	vadd.scan.msk.f32 $0xffff, v56;
	[tilespmem:v46+s28+$0x0] =	vst.idx.add.f32.msk vm2, v2;
	v4 =	vmul.f32 v3, v56  }
0x89: {  	vm3 =	vmand vm3, vm1;
	[tilespmem:v46+s29+$0x0] =	vst.idx.add.f32.msk vm2, v10  }
0x8a: {  	[tilespmem:v46+s30+$0x0] =	vst.idx.add.f32.msk vm2, v5;
	(xrf2) =	vadd.scan.msk.f32 $0xffff, v4;
	v59, _, _ =	vpop (xrf2)  }
0x8b: {  	(xrf2) =	vadd.scan.msk.f32 $0xffff, v3;
	[tilespmem:v51+s26+$0x0] =	vst.idx.add.f32.msk vm15, v59  }
0x8c: {  	vm2 =	vne.s32 v57, v58;
	v3, _, _ =	vpop (xrf2);
	[tilespmem:v51+s28+$0x0] =	vst.idx.add.f32.msk vm15, v1  }
0x8d: {  	vm5 =	vmor vm2, vm0;
	v5 =	vsub.f32 $0.0e+00, v59;
	v60, _, _ =	vpop (xrf2);
	[tilespmem:v51+s29+$0x0] =	vst.idx.add.f32.msk vm15, v3  }
0x8e: {  	v3 =	vsub.f32 $0.0e+00, v3;
	[tilespmem:v51+s30+$0x0] =	vst.idx.add.f32.msk vm15, v60  }
0x8f: {  	[tilespmem:v52+s26+$0x0] =	vst.idx.add.f32.msk vm3, v5  }
0x90: {  	v4 =	vsub.f32 $0.0e+00, v60;
	[tilespmem:v52+s28+$0x0] =	vst.idx.add.f32.msk vm3, v2  }
0x91: {  	vm2 =	vmand vm2, vm1;
	[tilespmem:v52+s29+$0x0] =	vst.idx.add.f32.msk vm3, v3  }
0x92: {  	v3, _, _ =	vpop (xrf2);
	[tilespmem:v52+s30+$0x0] =	vst.idx.add.f32.msk vm3, v4  }
0x93: {  	[tilespmem:v57+s26+$0x0] =	vst.idx.add.f32.msk vm5, v3  }
0x94: {  	s5 =	sadd.s32 $0x8, s5;
	v61, _, _ =	vpop (xrf2);
	[tilespmem:v57+s28+$0x0] =	vst.idx.add.f32.msk vm5, v1  }
0x95: {  	p0 =	slt.u32 s5, $0x1F8;
	v3 =	vsub.f32 $0.0e+00, v3;
	v62, _, _ =	vpop (xrf2);
	[tilespmem:v57+s29+$0x0] =	vst.idx.add.f32.msk vm5, v61  }
.Ltmp1:
0x96: {  	[tilespmem:v57+s30+$0x0] =	vst.idx.add.f32.msk vm5, v62;
	(pc) =	sbr.rel @p0 .LBB2_4-.Ltmp1, $4  }
0x97: {  	[tilespmem:v58+s26+$0x0] =	vst.idx.add.f32.msk vm2, v3;
	v3 =	vsub.f32 $0.0e+00, v61  }
0x98: {  	v63 =	vsub.f32 $0.0e+00, v62;
	[tilespmem:v58+s28+$0x0] =	vst.idx.add.f32.msk vm2, v2  }
0x99: {  	[tilespmem:v58+s29+$0x0] =	vst.idx.add.f32.msk vm2, v3  }
0x9a: {  	s6 =	sadd.s32 $0x80, s6;
	s7 =	sadd.s32 $0x80, s7;
	s8 =	sadd.s32 $0x80, s8;
	[tilespmem:v58+s30+$0x0] =	vst.idx.add.f32.msk vm2, v63  }
0x9b: {  	_ =	swait.ge [sflag:s31], $0x2000  }
0x9c: {  	[sflag:s31] =	ssyncset.done $0x0  }
0x9d: {  	[sflag:s31] =	ssyncadd.s32 $0xFFFFE000  }
0x9e: {  	_ =	swait.ge [sflag:s31], $0x2000  }
0x9f: {  	[sflag:s31] =	ssyncset.done $0x0  }
0xa0: {  	[sflag:s31] =	ssyncadd.s32 $0xFFFFE000  }
0xa1: {  	_ =	swait.ge [sflag:s31], $0x2000  }
0xa2: {  	[sflag:s31] =	ssyncset.done $0x0  }
0xa3: {  	[sflag:s31] =	ssyncadd.s32 $0xFFFFE000  }
0xa4: {  	[tilespmem:s22], [sflag:$0x2] =	stream.linear.gather [hbm4b:s12+s2], $0x2000, $0x38;
	[tilespmem:$0x14100] =	vst v63  }
0xa5: {  	s5 =	simm.s32 $0xFFFFFFF8  }
0xa6: {  	[tilespmem:s23], [sflag:$0x2] =	stream.linear.gather [hbm4b:s13+s2], $0x2000, $0x38;
	[tilespmem:$0x14100] =	vst v63  }
0xa7: {  	s6 =	simm.s32 $0xA0C0;
	s7 =	simm.s32 $0x6040;
	s8 =	simm.s32 $0x2040  }
0xa8: {  	[tilespmem:s24], [sflag:$0x2] =	stream.linear.gather [hbm4b:s14+s2], $0x2000, $0x38;
	[tilespmem:$0x14100] =	vst v63  }
.LBB2_6:
0xa9: {  	v3 =	vld [tilespmem:s7+$0xFFFFFFC0];
	_ =	sdelay $0x1  }
0xaa: {  	v4 =	vld [tilespmem:s8+$0xFFFFFFC0];
	_ =	sdelay $0x1  }
0xab: {  	v5 =	vld [tilespmem:s6+$0xFFFFFFC0]  }
0xac: {  	v6 =	vld [tilespmem:s6+$0xFFFFFFC1];
	v3 =	vcvt.s32.f32 v3  }
0xad: {  	v22 =	vld [tilespmem:s7+$0xFFFFFFD0]  }
0xae: {  	v7 =	vld [tilespmem:s6+$0xFFFFFFD0];
	(xrf2) =	vadd.scan.msk.f32 $0xffff, v4;
	v4 =	vmul.f32 v3, v4  }
0xaf: {  	v8 =	vld [tilespmem:s6+$0xFFFFFFD1]  }
0xb0: {  	v23 =	vld [tilespmem:s7+$0xFFFFFFE0];
	(xrf2) =	vadd.scan.msk.f32 $0xffff, v4  }
0xb1: {  	v24 =	vld [tilespmem:s8+$0xFFFFFFE0];
	(xrf2) =	vadd.scan.msk.f32 $0xffff, v3  }
0xb2: {  	v25 =	vld [tilespmem:s6+$0xFFFFFFE0];
	vm2 =	vne.s32 v5, v6  }
0xb3: {  	v26 =	vld [tilespmem:s6+$0xFFFFFFE1];
	vm3 =	vmor vm2, vm0  }
0xb4: {  	v3 =	vld [tilespmem:s8+$0xFFFFFFD0]  }
0xb5: {  	v30 =	vld [tilespmem:s7+$0xFFFFFFF0]  }
0xb6: {  	v32 =	vld [tilespmem:s6+$0xFFFFFFF0]  }
0xb7: {  	v33 =	vld [tilespmem:s6+$0xFFFFFFF1];
	vm2 =	vmand vm2, vm1;
	v4 =	vcvt.s32.f32 v22  }
0xb8: {  	v37 =	vld [tilespmem:s7+$0x0];
	v9, _, _ =	vpop (xrf2)  }
0xb9: {  	(xrf2) =	vadd.scan.msk.f32 $0xffff, v3;
	v3 =	vmul.f32 v4, v3;
	[tilespmem:v5+s26+$0x0] =	vst.idx.add.f32.msk vm3, v9  }
0xba: {  	[tilespmem:v5+s28+$0x0] =	vst.idx.add.f32.msk vm3, v1;
	v10, _, _ =	vpop (xrf2)  }
0xbb: {  	v9 =	vsub.f32 $0.0e+00, v9;
	(xrf2) =	vadd.scan.msk.f32 $0xffff, v3;
	v11, _, _ =	vpop (xrf2);
	[tilespmem:v5+s29+$0x0] =	vst.idx.add.f32.msk vm3, v10  }
0xbc: {  	(xrf2) =	vadd.scan.msk.f32 $0xffff, v4;
	[tilespmem:v5+s30+$0x0] =	vst.idx.add.f32.msk vm3, v11  }
0xbd: {  	v3 =	vsub.f32 $0.0e+00, v10;
	vm3 =	vne.s32 v7, v8;
	[tilespmem:v6+s26+$0x0] =	vst.idx.add.f32.msk vm2, v9  }
0xbe: {  	vm4 =	vmor vm3, vm0;
	[tilespmem:v6+s28+$0x0] =	vst.idx.add.f32.msk vm2, v2  }
0xbf: {  	[tilespmem:v6+s29+$0x0] =	vst.idx.add.f32.msk vm2, v3;
	v3 =	vsub.f32 $0.0e+00, v11  }
0xc0: {  	v38 =	vld [tilespmem:s8+$0x0];
	(xrf2) =	vadd.scan.msk.f32 $0xffff, v24  }
0xc1: {  	v39 =	vld [tilespmem:s6+$0x0];
	v4 =	vcvt.s32.f32 v23  }
0xc2: {  	[tilespmem:v6+s30+$0x0] =	vst.idx.add.f32.msk vm2, v3;
	vm2 =	vmand vm3, vm1  }
0xc3: {  	v40 =	vld [tilespmem:s6+$0x1];
	v5 =	vmul.f32 v4, v24;
	v3, _, _ =	vpop (xrf2)  }
0xc4: {  	vm3 =	vne.s32 v25, v26;
	[tilespmem:v7+s26+$0x0] =	vst.idx.add.f32.msk vm4, v3  }
0xc5: {  	vm11 =	vmor vm3, vm0;
	v27, _, _ =	vpop (xrf2);
	(xrf2) =	vadd.scan.msk.f32 $0xffff, v5;
	[tilespmem:v7+s28+$0x0] =	vst.idx.add.f32.msk vm4, v1  }
0xc6: {  	v3 =	vsub.f32 $0.0e+00, v3;
	v28, _, _ =	vpop (xrf2);
	(xrf2) =	vadd.scan.msk.f32 $0xffff, v4;
	[tilespmem:v7+s29+$0x0] =	vst.idx.add.f32.msk vm4, v27  }
0xc7: {  	[tilespmem:v7+s30+$0x0] =	vst.idx.add.f32.msk vm4, v28  }
0xc8: {  	[tilespmem:v8+s26+$0x0] =	vst.idx.add.f32.msk vm2, v3  }
0xc9: {  	v3 =	vld [tilespmem:s8+$0xFFFFFFF0]  }
0xca: {  	v43 =	vld [tilespmem:s8+$0x10];
	v34, _, _ =	vpop (xrf2)  }
0xcb: {  	[tilespmem:v25+s26+$0x0] =	vst.idx.add.f32.msk vm11, v34  }
0xcc: {  	vm3 =	vmand vm3, vm1;
	v5 =	vcvt.s32.f32 v30;
	v29 =	vsub.f32 $0.0e+00, v27;
	[tilespmem:v8+s28+$0x0] =	vst.idx.add.f32.msk vm2, v2  }
0xcd: {  	v31 =	vsub.f32 $0.0e+00, v28;
	[tilespmem:v25+s28+$0x0] =	vst.idx.add.f32.msk vm11, v1  }
0xce: {  	[tilespmem:v8+s29+$0x0] =	vst.idx.add.f32.msk vm2, v29;
	(xrf2) =	vadd.scan.msk.f32 $0xffff, v3;
	v3 =	vmul.f32 v5, v3  }
0xcf: {  	[tilespmem:v8+s30+$0x0] =	vst.idx.add.f32.msk vm2, v31;
	v35, _, _ =	vpop (xrf2)  }
0xd0: {  	v4 =	vsub.f32 $0.0e+00, v34;
	v36, _, _ =	vpop (xrf2);
	[tilespmem:v25+s29+$0x0] =	vst.idx.add.f32.msk vm11, v35;
	(xrf2) =	vadd.scan.msk.f32 $0xffff, v3  }
0xd1: {  	[tilespmem:v25+s30+$0x0] =	vst.idx.add.f32.msk vm11, v36;
	(xrf2) =	vadd.scan.msk.f32 $0xffff, v5  }
0xd2: {  	vm2 =	vne.s32 v32, v33;
	v3 =	vsub.f32 $0.0e+00, v35;
	[tilespmem:v26+s26+$0x0] =	vst.idx.add.f32.msk vm3, v4  }
0xd3: {  	vm12 =	vmor vm2, vm0;
	[tilespmem:v26+s28+$0x0] =	vst.idx.add.f32.msk vm3, v2  }
0xd4: {  	[tilespmem:v26+s29+$0x0] =	vst.idx.add.f32.msk vm3, v3;
	v3 =	vsub.f32 $0.0e+00, v36  }
0xd5: {  	v44 =	vld [tilespmem:s7+$0x10]  }
0xd6: {  	v45 =	vld [tilespmem:s6+$0x10]  }
0xd7: {  	v46 =	vld [tilespmem:s6+$0x11];
	vm2 =	vmand vm2, vm1;
	v4 =	vcvt.s32.f32 v37  }
0xd8: {  	[tilespmem:v26+s30+$0x0] =	vst.idx.add.f32.msk vm3, v3;
	v3, _, _ =	vpop (xrf2)  }
0xd9: {  	(xrf2) =	vadd.scan.msk.f32 $0xffff, v38;
	v5 =	vmul.f32 v4, v38;
	[tilespmem:v32+s26+$0x0] =	vst.idx.add.f32.msk vm12, v3  }
0xda: {  	v41, _, _ =	vpop (xrf2);
	[tilespmem:v32+s28+$0x0] =	vst.idx.add.f32.msk vm12, v1  }
0xdb: {  	(xrf2) =	vadd.scan.msk.f32 $0xffff, v5;
	v3 =	vsub.f32 $0.0e+00, v3;
	v42, _, _ =	vpop (xrf2);
	[tilespmem:v32+s29+$0x0] =	vst.idx.add.f32.msk vm12, v41  }
0xdc: {  	(xrf2) =	vadd.scan.msk.f32 $0xffff, v4;
	[tilespmem:v32+s30+$0x0] =	vst.idx.add.f32.msk vm12, v42  }
0xdd: {  	vm3 =	vne.s32 v39, v40;
	[tilespmem:v33+s26+$0x0] =	vst.idx.add.f32.msk vm2, v3;
	v3 =	vsub.f32 $0.0e+00, v41  }
0xde: {  	vm13 =	vmor vm3, vm0;
	[tilespmem:v33+s28+$0x0] =	vst.idx.add.f32.msk vm2, v2  }
0xdf: {  	[tilespmem:v33+s29+$0x0] =	vst.idx.add.f32.msk vm2, v3;
	v3 =	vsub.f32 $0.0e+00, v42  }
0xe0: {  	v49 =	vld [tilespmem:s7+$0x20]  }
0xe1: {  	v50 =	vld [tilespmem:s8+$0x20]  }
0xe2: {  	v51 =	vld [tilespmem:s6+$0x20];
	vm3 =	vmand vm3, vm1  }
0xe3: {  	v5 =	vcvt.s32.f32 v44;
	[tilespmem:v33+s30+$0x0] =	vst.idx.add.f32.msk vm2, v3;
	v3, _, _ =	vpop (xrf2)  }
0xe4: {  	(xrf2) =	vadd.scan.msk.f32 $0xffff, v43;
	[tilespmem:v39+s26+$0x0] =	vst.idx.add.f32.msk vm13, v3  }
0xe5: {  	v4 =	vmul.f32 v5, v43;
	v47, _, _ =	vpop (xrf2);
	[tilespmem:v39+s28+$0x0] =	vst.idx.add.f32.msk vm13, v1  }
0xe6: {  	v3 =	vsub.f32 $0.0e+00, v3;
	v48, _, _ =	vpop (xrf2);
	[tilespmem:v39+s29+$0x0] =	vst.idx.add.f32.msk vm13, v47  }
0xe7: {  	(xrf2) =	vadd.scan.msk.f32 $0xffff, v4;
	[tilespmem:v39+s30+$0x0] =	vst.idx.add.f32.msk vm13, v48  }
0xe8: {  	(xrf2) =	vadd.scan.msk.f32 $0xffff, v5;
	[tilespmem:v40+s26+$0x0] =	vst.idx.add.f32.msk vm3, v3;
	v3 =	vsub.f32 $0.0e+00, v47  }
0xe9: {  	vm2 =	vne.s32 v45, v46;
	[tilespmem:v40+s28+$0x0] =	vst.idx.add.f32.msk vm3, v2  }
0xea: {  	vm14 =	vmor vm2, vm0;
	[tilespmem:v40+s29+$0x0] =	vst.idx.add.f32.msk vm3, v3;
	v3 =	vsub.f32 $0.0e+00, v48  }
0xeb: {  	v52 =	vld [tilespmem:s6+$0x21]  }
0xec: {  	v54 =	vld [tilespmem:s7+$0x30];
	v4 =	vcvt.s32.f32 v49  }
0xed: {  	v56 =	vld [tilespmem:s8+$0x30]  }
0xee: {  	vm2 =	vmand vm2, vm1;
	v5 =	vmul.f32 v4, v50;
	[tilespmem:v40+s30+$0x0] =	vst.idx.add.f32.msk vm3, v3;
	v3, _, _ =	vpop (xrf2);
	(xrf2) =	vadd.scan.msk.f32 $0xffff, v50  }
0xef: {  	v57 =	vld [tilespmem:s6+$0x30]  }
0xf0: {  	[tilespmem:v45+s26+$0x0] =	vst.idx.add.f32.msk vm14, v3;
	(xrf2) =	vadd.scan.msk.f32 $0xffff, v5  }
0xf1: {  	v53, _, _ =	vpop (xrf2);
	[tilespmem:v45+s28+$0x0] =	vst.idx.add.f32.msk vm14, v1;
	(xrf2) =	vadd.scan.msk.f32 $0xffff, v4  }
0xf2: {  	vm3 =	vne.s32 v51, v52;
	v3 =	vsub.f32 $0.0e+00, v3;
	v55, _, _ =	vpop (xrf2);
	[tilespmem:v45+s29+$0x0] =	vst.idx.add.f32.msk vm14, v53  }
0xf3: {  	vm15 =	vmor vm3, vm0;
	[tilespmem:v45+s30+$0x0] =	vst.idx.add.f32.msk vm14, v55  }
0xf4: {  	[tilespmem:v46+s26+$0x0] =	vst.idx.add.f32.msk vm2, v3;
	v3 =	vcvt.s32.f32 v54  }
0xf5: {  	v58 =	vld [tilespmem:s6+$0x31];
	v10 =	vsub.f32 $0.0e+00, v53  }
0xf6: {  	v5 =	vsub.f32 $0.0e+00, v55;
	(xrf2) =	vadd.scan.msk.f32 $0xffff, v56;
	[tilespmem:v46+s28+$0x0] =	vst.idx.add.f32.msk vm2, v2;
	v4 =	vmul.f32 v3, v56  }
0xf7: {  	vm3 =	vmand vm3, vm1;
	[tilespmem:v46+s29+$0x0] =	vst.idx.add.f32.msk vm2, v10  }
0xf8: {  	[tilespmem:v46+s30+$0x0] =	vst.idx.add.f32.msk vm2, v5;
	(xrf2) =	vadd.scan.msk.f32 $0xffff, v4;
	v59, _, _ =	vpop (xrf2)  }
0xf9: {  	(xrf2) =	vadd.scan.msk.f32 $0xffff, v3;
	[tilespmem:v51+s26+$0x0] =	vst.idx.add.f32.msk vm15, v59  }
0xfa: {  	vm2 =	vne.s32 v57, v58;
	v3, _, _ =	vpop (xrf2);
	[tilespmem:v51+s28+$0x0] =	vst.idx.add.f32.msk vm15, v1  }
0xfb: {  	vm5 =	vmor vm2, vm0;
	v5 =	vsub.f32 $0.0e+00, v59;
	v60, _, _ =	vpop (xrf2);
	[tilespmem:v51+s29+$0x0] =	vst.idx.add.f32.msk vm15, v3  }
0xfc: {  	v3 =	vsub.f32 $0.0e+00, v3;
	[tilespmem:v51+s30+$0x0] =	vst.idx.add.f32.msk vm15, v60  }
0xfd: {  	[tilespmem:v52+s26+$0x0] =	vst.idx.add.f32.msk vm3, v5  }
0xfe: {  	v4 =	vsub.f32 $0.0e+00, v60;
	[tilespmem:v52+s28+$0x0] =	vst.idx.add.f32.msk vm3, v2  }
0xff: {  	vm2 =	vmand vm2, vm1;
	[tilespmem:v52+s29+$0x0] =	vst.idx.add.f32.msk vm3, v3  }
0x100: {  	v3, _, _ =	vpop (xrf2);
	[tilespmem:v52+s30+$0x0] =	vst.idx.add.f32.msk vm3, v4  }
0x101: {  	[tilespmem:v57+s26+$0x0] =	vst.idx.add.f32.msk vm5, v3  }
0x102: {  	s5 =	sadd.s32 $0x8, s5;
	v61, _, _ =	vpop (xrf2);
	[tilespmem:v57+s28+$0x0] =	vst.idx.add.f32.msk vm5, v1  }
0x103: {  	p0 =	slt.u32 s5, $0x1F8;
	v3 =	vsub.f32 $0.0e+00, v3;
	v62, _, _ =	vpop (xrf2);
	[tilespmem:v57+s29+$0x0] =	vst.idx.add.f32.msk vm5, v61  }
.Ltmp2:
0x104: {  	[tilespmem:v57+s30+$0x0] =	vst.idx.add.f32.msk vm5, v62;
	(pc) =	sbr.rel @p0 .LBB2_6-.Ltmp2, $4  }
0x105: {  	[tilespmem:v58+s26+$0x0] =	vst.idx.add.f32.msk vm2, v3;
	v3 =	vsub.f32 $0.0e+00, v61  }
0x106: {  	v63 =	vsub.f32 $0.0e+00, v62;
	[tilespmem:v58+s28+$0x0] =	vst.idx.add.f32.msk vm2, v2  }
0x107: {  	[tilespmem:v58+s29+$0x0] =	vst.idx.add.f32.msk vm2, v3  }
0x108: {  	s6 =	sadd.s32 $0x80, s6;
	s7 =	sadd.s32 $0x80, s7;
	s8 =	sadd.s32 $0x80, s8;
	[tilespmem:v58+s30+$0x0] =	vst.idx.add.f32.msk vm2, v63  }
0x109: {  	_ =	swait.ge [sflag:s25], $0x2000  }
0x10a: {  	[sflag:s25] =	ssyncset.done $0x0  }
0x10b: {  	[sflag:s25] =	ssyncadd.s32 $0xFFFFE000  }
0x10c: {  	_ =	swait.ge [sflag:s25], $0x2000  }
0x10d: {  	[sflag:s25] =	ssyncset.done $0x0  }
0x10e: {  	[sflag:s25] =	ssyncadd.s32 $0xFFFFE000  }
0x10f: {  	_ =	swait.ge [sflag:s25], $0x2000  }
0x110: {  	s5 =	simm.s32 $0xFFFFFFF8;
	s6 =	simm.s32 $0x8040;
	[sflag:s25] =	ssyncset.done $0x0  }
0x111: {  	s7 =	simm.s32 $0x4040;
	s8 =	simm.s32 $0x40;
	[sflag:s25] =	ssyncadd.s32 $0xFFFFE000  }
.LBB2_8:
0x112: {  	v3 =	vld [tilespmem:s7+$0xFFFFFFC0];
	_ =	sdelay $0x1  }
0x113: {  	v4 =	vld [tilespmem:s8+$0xFFFFFFC0];
	_ =	sdelay $0x1  }
0x114: {  	v5 =	vld [tilespmem:s6+$0xFFFFFFC0]  }
0x115: {  	v6 =	vld [tilespmem:s6+$0xFFFFFFC1];
	v3 =	vcvt.s32.f32 v3  }
0x116: {  	v22 =	vld [tilespmem:s7+$0xFFFFFFD0]  }
0x117: {  	v7 =	vld [tilespmem:s6+$0xFFFFFFD0];
	(xrf2) =	vadd.scan.msk.f32 $0xffff, v4;
	v4 =	vmul.f32 v3, v4  }
0x118: {  	v8 =	vld [tilespmem:s6+$0xFFFFFFD1]  }
0x119: {  	v23 =	vld [tilespmem:s7+$0xFFFFFFE0];
	(xrf2) =	vadd.scan.msk.f32 $0xffff, v4  }
0x11a: {  	v24 =	vld [tilespmem:s8+$0xFFFFFFE0];
	(xrf2) =	vadd.scan.msk.f32 $0xffff, v3  }
0x11b: {  	v25 =	vld [tilespmem:s6+$0xFFFFFFE0];
	vm2 =	vne.s32 v5, v6  }
0x11c: {  	v26 =	vld [tilespmem:s6+$0xFFFFFFE1];
	vm3 =	vmor vm2, vm0  }
0x11d: {  	v3 =	vld [tilespmem:s8+$0xFFFFFFD0]  }
0x11e: {  	v30 =	vld [tilespmem:s7+$0xFFFFFFF0]  }
0x11f: {  	v32 =	vld [tilespmem:s6+$0xFFFFFFF0]  }
0x120: {  	v33 =	vld [tilespmem:s6+$0xFFFFFFF1];
	vm2 =	vmand vm2, vm1;
	v4 =	vcvt.s32.f32 v22  }
0x121: {  	v37 =	vld [tilespmem:s7+$0x0];
	v9, _, _ =	vpop (xrf2)  }
0x122: {  	(xrf2) =	vadd.scan.msk.f32 $0xffff, v3;
	v3 =	vmul.f32 v4, v3;
	[tilespmem:v5+s26+$0x0] =	vst.idx.add.f32.msk vm3, v9  }
0x123: {  	[tilespmem:v5+s28+$0x0] =	vst.idx.add.f32.msk vm3, v1;
	v10, _, _ =	vpop (xrf2)  }
0x124: {  	v9 =	vsub.f32 $0.0e+00, v9;
	(xrf2) =	vadd.scan.msk.f32 $0xffff, v3;
	v11, _, _ =	vpop (xrf2);
	[tilespmem:v5+s29+$0x0] =	vst.idx.add.f32.msk vm3, v10  }
0x125: {  	(xrf2) =	vadd.scan.msk.f32 $0xffff, v4;
	[tilespmem:v5+s30+$0x0] =	vst.idx.add.f32.msk vm3, v11  }
0x126: {  	v3 =	vsub.f32 $0.0e+00, v10;
	vm3 =	vne.s32 v7, v8;
	[tilespmem:v6+s26+$0x0] =	vst.idx.add.f32.msk vm2, v9  }
0x127: {  	vm4 =	vmor vm3, vm0;
	[tilespmem:v6+s28+$0x0] =	vst.idx.add.f32.msk vm2, v2  }
0x128: {  	[tilespmem:v6+s29+$0x0] =	vst.idx.add.f32.msk vm2, v3;
	v3 =	vsub.f32 $0.0e+00, v11  }
0x129: {  	v38 =	vld [tilespmem:s8+$0x0];
	(xrf2) =	vadd.scan.msk.f32 $0xffff, v24  }
0x12a: {  	v39 =	vld [tilespmem:s6+$0x0];
	v4 =	vcvt.s32.f32 v23  }
0x12b: {  	[tilespmem:v6+s30+$0x0] =	vst.idx.add.f32.msk vm2, v3;
	vm2 =	vmand vm3, vm1  }
0x12c: {  	v40 =	vld [tilespmem:s6+$0x1];
	v5 =	vmul.f32 v4, v24;
	v3, _, _ =	vpop (xrf2)  }
0x12d: {  	vm3 =	vne.s32 v25, v26;
	[tilespmem:v7+s26+$0x0] =	vst.idx.add.f32.msk vm4, v3  }
0x12e: {  	vm11 =	vmor vm3, vm0;
	v27, _, _ =	vpop (xrf2);
	(xrf2) =	vadd.scan.msk.f32 $0xffff, v5;
	[tilespmem:v7+s28+$0x0] =	vst.idx.add.f32.msk vm4, v1  }
0x12f: {  	v3 =	vsub.f32 $0.0e+00, v3;
	v28, _, _ =	vpop (xrf2);
	(xrf2) =	vadd.scan.msk.f32 $0xffff, v4;
	[tilespmem:v7+s29+$0x0] =	vst.idx.add.f32.msk vm4, v27  }
0x130: {  	[tilespmem:v7+s30+$0x0] =	vst.idx.add.f32.msk vm4, v28  }
0x131: {  	[tilespmem:v8+s26+$0x0] =	vst.idx.add.f32.msk vm2, v3  }
0x132: {  	v3 =	vld [tilespmem:s8+$0xFFFFFFF0]  }
0x133: {  	v43 =	vld [tilespmem:s8+$0x10];
	v34, _, _ =	vpop (xrf2)  }
0x134: {  	[tilespmem:v25+s26+$0x0] =	vst.idx.add.f32.msk vm11, v34  }
0x135: {  	vm3 =	vmand vm3, vm1;
	v5 =	vcvt.s32.f32 v30;
	v29 =	vsub.f32 $0.0e+00, v27;
	[tilespmem:v8+s28+$0x0] =	vst.idx.add.f32.msk vm2, v2  }
0x136: {  	v31 =	vsub.f32 $0.0e+00, v28;
	[tilespmem:v25+s28+$0x0] =	vst.idx.add.f32.msk vm11, v1  }
0x137: {  	[tilespmem:v8+s29+$0x0] =	vst.idx.add.f32.msk vm2, v29;
	(xrf2) =	vadd.scan.msk.f32 $0xffff, v3;
	v3 =	vmul.f32 v5, v3  }
0x138: {  	[tilespmem:v8+s30+$0x0] =	vst.idx.add.f32.msk vm2, v31;
	v35, _, _ =	vpop (xrf2)  }
0x139: {  	v4 =	vsub.f32 $0.0e+00, v34;
	v36, _, _ =	vpop (xrf2);
	[tilespmem:v25+s29+$0x0] =	vst.idx.add.f32.msk vm11, v35;
	(xrf2) =	vadd.scan.msk.f32 $0xffff, v3  }
0x13a: {  	[tilespmem:v25+s30+$0x0] =	vst.idx.add.f32.msk vm11, v36;
	(xrf2) =	vadd.scan.msk.f32 $0xffff, v5  }
0x13b: {  	vm2 =	vne.s32 v32, v33;
	v3 =	vsub.f32 $0.0e+00, v35;
	[tilespmem:v26+s26+$0x0] =	vst.idx.add.f32.msk vm3, v4  }
0x13c: {  	vm12 =	vmor vm2, vm0;
	[tilespmem:v26+s28+$0x0] =	vst.idx.add.f32.msk vm3, v2  }
0x13d: {  	[tilespmem:v26+s29+$0x0] =	vst.idx.add.f32.msk vm3, v3;
	v3 =	vsub.f32 $0.0e+00, v36  }
0x13e: {  	v44 =	vld [tilespmem:s7+$0x10]  }
0x13f: {  	v45 =	vld [tilespmem:s6+$0x10]  }
0x140: {  	v46 =	vld [tilespmem:s6+$0x11];
	vm2 =	vmand vm2, vm1;
	v4 =	vcvt.s32.f32 v37  }
0x141: {  	[tilespmem:v26+s30+$0x0] =	vst.idx.add.f32.msk vm3, v3;
	v3, _, _ =	vpop (xrf2)  }
0x142: {  	(xrf2) =	vadd.scan.msk.f32 $0xffff, v38;
	v5 =	vmul.f32 v4, v38;
	[tilespmem:v32+s26+$0x0] =	vst.idx.add.f32.msk vm12, v3  }
0x143: {  	v41, _, _ =	vpop (xrf2);
	[tilespmem:v32+s28+$0x0] =	vst.idx.add.f32.msk vm12, v1  }
0x144: {  	(xrf2) =	vadd.scan.msk.f32 $0xffff, v5;
	v3 =	vsub.f32 $0.0e+00, v3;
	v42, _, _ =	vpop (xrf2);
	[tilespmem:v32+s29+$0x0] =	vst.idx.add.f32.msk vm12, v41  }
0x145: {  	(xrf2) =	vadd.scan.msk.f32 $0xffff, v4;
	[tilespmem:v32+s30+$0x0] =	vst.idx.add.f32.msk vm12, v42  }
0x146: {  	vm3 =	vne.s32 v39, v40;
	[tilespmem:v33+s26+$0x0] =	vst.idx.add.f32.msk vm2, v3;
	v3 =	vsub.f32 $0.0e+00, v41  }
0x147: {  	vm13 =	vmor vm3, vm0;
	[tilespmem:v33+s28+$0x0] =	vst.idx.add.f32.msk vm2, v2  }
0x148: {  	[tilespmem:v33+s29+$0x0] =	vst.idx.add.f32.msk vm2, v3;
	v3 =	vsub.f32 $0.0e+00, v42  }
0x149: {  	v49 =	vld [tilespmem:s7+$0x20]  }
0x14a: {  	v50 =	vld [tilespmem:s8+$0x20]  }
0x14b: {  	v51 =	vld [tilespmem:s6+$0x20];
	vm3 =	vmand vm3, vm1  }
0x14c: {  	v5 =	vcvt.s32.f32 v44;
	[tilespmem:v33+s30+$0x0] =	vst.idx.add.f32.msk vm2, v3;
	v3, _, _ =	vpop (xrf2)  }
0x14d: {  	(xrf2) =	vadd.scan.msk.f32 $0xffff, v43;
	[tilespmem:v39+s26+$0x0] =	vst.idx.add.f32.msk vm13, v3  }
0x14e: {  	v4 =	vmul.f32 v5, v43;
	v47, _, _ =	vpop (xrf2);
	[tilespmem:v39+s28+$0x0] =	vst.idx.add.f32.msk vm13, v1  }
0x14f: {  	v3 =	vsub.f32 $0.0e+00, v3;
	v48, _, _ =	vpop (xrf2);
	[tilespmem:v39+s29+$0x0] =	vst.idx.add.f32.msk vm13, v47  }
0x150: {  	(xrf2) =	vadd.scan.msk.f32 $0xffff, v4;
	[tilespmem:v39+s30+$0x0] =	vst.idx.add.f32.msk vm13, v48  }
0x151: {  	(xrf2) =	vadd.scan.msk.f32 $0xffff, v5;
	[tilespmem:v40+s26+$0x0] =	vst.idx.add.f32.msk vm3, v3;
	v3 =	vsub.f32 $0.0e+00, v47  }
0x152: {  	vm2 =	vne.s32 v45, v46;
	[tilespmem:v40+s28+$0x0] =	vst.idx.add.f32.msk vm3, v2  }
0x153: {  	vm14 =	vmor vm2, vm0;
	[tilespmem:v40+s29+$0x0] =	vst.idx.add.f32.msk vm3, v3;
	v3 =	vsub.f32 $0.0e+00, v48  }
0x154: {  	v52 =	vld [tilespmem:s6+$0x21]  }
0x155: {  	v54 =	vld [tilespmem:s7+$0x30];
	v4 =	vcvt.s32.f32 v49  }
0x156: {  	v56 =	vld [tilespmem:s8+$0x30]  }
0x157: {  	vm2 =	vmand vm2, vm1;
	v5 =	vmul.f32 v4, v50;
	[tilespmem:v40+s30+$0x0] =	vst.idx.add.f32.msk vm3, v3;
	v3, _, _ =	vpop (xrf2);
	(xrf2) =	vadd.scan.msk.f32 $0xffff, v50  }
0x158: {  	v57 =	vld [tilespmem:s6+$0x30]  }
0x159: {  	[tilespmem:v45+s26+$0x0] =	vst.idx.add.f32.msk vm14, v3;
	(xrf2) =	vadd.scan.msk.f32 $0xffff, v5  }
0x15a: {  	v53, _, _ =	vpop (xrf2);
	[tilespmem:v45+s28+$0x0] =	vst.idx.add.f32.msk vm14, v1;
	(xrf2) =	vadd.scan.msk.f32 $0xffff, v4  }
0x15b: {  	vm3 =	vne.s32 v51, v52;
	v3 =	vsub.f32 $0.0e+00, v3;
	v55, _, _ =	vpop (xrf2);
	[tilespmem:v45+s29+$0x0] =	vst.idx.add.f32.msk vm14, v53  }
0x15c: {  	vm15 =	vmor vm3, vm0;
	[tilespmem:v45+s30+$0x0] =	vst.idx.add.f32.msk vm14, v55  }
0x15d: {  	[tilespmem:v46+s26+$0x0] =	vst.idx.add.f32.msk vm2, v3;
	v3 =	vcvt.s32.f32 v54  }
0x15e: {  	v58 =	vld [tilespmem:s6+$0x31];
	v10 =	vsub.f32 $0.0e+00, v53  }
0x15f: {  	v5 =	vsub.f32 $0.0e+00, v55;
	(xrf2) =	vadd.scan.msk.f32 $0xffff, v56;
	[tilespmem:v46+s28+$0x0] =	vst.idx.add.f32.msk vm2, v2;
	v4 =	vmul.f32 v3, v56  }
0x160: {  	vm3 =	vmand vm3, vm1;
	[tilespmem:v46+s29+$0x0] =	vst.idx.add.f32.msk vm2, v10  }
0x161: {  	[tilespmem:v46+s30+$0x0] =	vst.idx.add.f32.msk vm2, v5;
	(xrf2) =	vadd.scan.msk.f32 $0xffff, v4;
	v59, _, _ =	vpop (xrf2)  }
0x162: {  	(xrf2) =	vadd.scan.msk.f32 $0xffff, v3;
	[tilespmem:v51+s26+$0x0] =	vst.idx.add.f32.msk vm15, v59  }
0x163: {  	vm2 =	vne.s32 v57, v58;
	v3, _, _ =	vpop (xrf2);
	[tilespmem:v51+s28+$0x0] =	vst.idx.add.f32.msk vm15, v1  }
0x164: {  	vm5 =	vmor vm2, vm0;
	v5 =	vsub.f32 $0.0e+00, v59;
	v60, _, _ =	vpop (xrf2);
	[tilespmem:v51+s29+$0x0] =	vst.idx.add.f32.msk vm15, v3  }
0x165: {  	v3 =	vsub.f32 $0.0e+00, v3;
	[tilespmem:v51+s30+$0x0] =	vst.idx.add.f32.msk vm15, v60  }
0x166: {  	[tilespmem:v52+s26+$0x0] =	vst.idx.add.f32.msk vm3, v5  }
0x167: {  	v4 =	vsub.f32 $0.0e+00, v60;
	[tilespmem:v52+s28+$0x0] =	vst.idx.add.f32.msk vm3, v2  }
0x168: {  	vm2 =	vmand vm2, vm1;
	[tilespmem:v52+s29+$0x0] =	vst.idx.add.f32.msk vm3, v3  }
0x169: {  	v3, _, _ =	vpop (xrf2);
	[tilespmem:v52+s30+$0x0] =	vst.idx.add.f32.msk vm3, v4  }
0x16a: {  	[tilespmem:v57+s26+$0x0] =	vst.idx.add.f32.msk vm5, v3  }
0x16b: {  	s5 =	sadd.s32 $0x8, s5;
	v61, _, _ =	vpop (xrf2);
	[tilespmem:v57+s28+$0x0] =	vst.idx.add.f32.msk vm5, v1  }
0x16c: {  	p0 =	slt.u32 s5, $0x1F8;
	v3 =	vsub.f32 $0.0e+00, v3;
	v62, _, _ =	vpop (xrf2);
	[tilespmem:v57+s29+$0x0] =	vst.idx.add.f32.msk vm5, v61  }
.Ltmp3:
0x16d: {  	[tilespmem:v57+s30+$0x0] =	vst.idx.add.f32.msk vm5, v62;
	(pc) =	sbr.rel @p0 .LBB2_8-.Ltmp3, $4  }
0x16e: {  	[tilespmem:v58+s26+$0x0] =	vst.idx.add.f32.msk vm2, v3;
	v3 =	vsub.f32 $0.0e+00, v61  }
0x16f: {  	v63 =	vsub.f32 $0.0e+00, v62;
	[tilespmem:v58+s28+$0x0] =	vst.idx.add.f32.msk vm2, v2  }
0x170: {  	[tilespmem:v58+s29+$0x0] =	vst.idx.add.f32.msk vm2, v3  }
0x171: {  	s6 =	sadd.s32 $0x80, s6;
	s7 =	sadd.s32 $0x80, s7;
	s8 =	sadd.s32 $0x80, s8;
	[tilespmem:v58+s30+$0x0] =	vst.idx.add.f32.msk vm2, v63  }
0x172: {  	_ =	swait.ge [sflag:s31], $0x2000  }
0x173: {  	[sflag:s31] =	ssyncset.done $0x0  }
0x174: {  	[sflag:s31] =	ssyncadd.s32 $0xFFFFE000  }
0x175: {  	_ =	swait.ge [sflag:s31], $0x2000  }
0x176: {  	[sflag:s31] =	ssyncset.done $0x0  }
0x177: {  	[sflag:s31] =	ssyncadd.s32 $0xFFFFE000  }
0x178: {  	_ =	swait.ge [sflag:s31], $0x2000  }
0x179: {  	s5 =	simm.s32 $0xFFFFFFF8;
	s6 =	simm.s32 $0xA0C0;
	[sflag:s31] =	ssyncset.done $0x0  }
0x17a: {  	s7 =	simm.s32 $0x6040;
	s8 =	simm.s32 $0x2040;
	[sflag:s31] =	ssyncadd.s32 $0xFFFFE000  }
.LBB2_10:
0x17b: {  	v3 =	vld [tilespmem:s7+$0xFFFFFFC0];
	_ =	sdelay $0x1  }
0x17c: {  	v4 =	vld [tilespmem:s8+$0xFFFFFFC0];
	_ =	sdelay $0x1  }
0x17d: {  	v5 =	vld [tilespmem:s6+$0xFFFFFFC0]  }
0x17e: {  	v6 =	vld [tilespmem:s6+$0xFFFFFFC1];
	v3 =	vcvt.s32.f32 v3  }
0x17f: {  	v22 =	vld [tilespmem:s7+$0xFFFFFFD0]  }
0x180: {  	v7 =	vld [tilespmem:s6+$0xFFFFFFD0];
	(xrf2) =	vadd.scan.msk.f32 $0xffff, v4;
	v4 =	vmul.f32 v3, v4  }
0x181: {  	v8 =	vld [tilespmem:s6+$0xFFFFFFD1]  }
0x182: {  	v23 =	vld [tilespmem:s7+$0xFFFFFFE0];
	(xrf2) =	vadd.scan.msk.f32 $0xffff, v4  }
0x183: {  	v24 =	vld [tilespmem:s8+$0xFFFFFFE0];
	(xrf2) =	vadd.scan.msk.f32 $0xffff, v3  }
0x184: {  	v25 =	vld [tilespmem:s6+$0xFFFFFFE0];
	vm2 =	vne.s32 v5, v6  }
0x185: {  	v26 =	vld [tilespmem:s6+$0xFFFFFFE1];
	vm3 =	vmor vm2, vm0  }
0x186: {  	v3 =	vld [tilespmem:s8+$0xFFFFFFD0]  }
0x187: {  	v30 =	vld [tilespmem:s7+$0xFFFFFFF0]  }
0x188: {  	v32 =	vld [tilespmem:s6+$0xFFFFFFF0]  }
0x189: {  	v33 =	vld [tilespmem:s6+$0xFFFFFFF1];
	vm2 =	vmand vm2, vm1;
	v4 =	vcvt.s32.f32 v22  }
0x18a: {  	v37 =	vld [tilespmem:s7+$0x0];
	v9, _, _ =	vpop (xrf2)  }
0x18b: {  	(xrf2) =	vadd.scan.msk.f32 $0xffff, v3;
	v3 =	vmul.f32 v4, v3;
	[tilespmem:v5+s26+$0x0] =	vst.idx.add.f32.msk vm3, v9  }
0x18c: {  	[tilespmem:v5+s28+$0x0] =	vst.idx.add.f32.msk vm3, v1;
	v10, _, _ =	vpop (xrf2)  }
0x18d: {  	v9 =	vsub.f32 $0.0e+00, v9;
	(xrf2) =	vadd.scan.msk.f32 $0xffff, v3;
	v11, _, _ =	vpop (xrf2);
	[tilespmem:v5+s29+$0x0] =	vst.idx.add.f32.msk vm3, v10  }
0x18e: {  	(xrf2) =	vadd.scan.msk.f32 $0xffff, v4;
	[tilespmem:v5+s30+$0x0] =	vst.idx.add.f32.msk vm3, v11  }
0x18f: {  	v3 =	vsub.f32 $0.0e+00, v10;
	vm3 =	vne.s32 v7, v8;
	[tilespmem:v6+s26+$0x0] =	vst.idx.add.f32.msk vm2, v9  }
0x190: {  	vm4 =	vmor vm3, vm0;
	[tilespmem:v6+s28+$0x0] =	vst.idx.add.f32.msk vm2, v2  }
0x191: {  	[tilespmem:v6+s29+$0x0] =	vst.idx.add.f32.msk vm2, v3;
	v3 =	vsub.f32 $0.0e+00, v11  }
0x192: {  	v38 =	vld [tilespmem:s8+$0x0];
	(xrf2) =	vadd.scan.msk.f32 $0xffff, v24  }
0x193: {  	v39 =	vld [tilespmem:s6+$0x0];
	v4 =	vcvt.s32.f32 v23  }
0x194: {  	[tilespmem:v6+s30+$0x0] =	vst.idx.add.f32.msk vm2, v3;
	vm2 =	vmand vm3, vm1  }
0x195: {  	v40 =	vld [tilespmem:s6+$0x1];
	v5 =	vmul.f32 v4, v24;
	v3, _, _ =	vpop (xrf2)  }
0x196: {  	vm3 =	vne.s32 v25, v26;
	[tilespmem:v7+s26+$0x0] =	vst.idx.add.f32.msk vm4, v3  }
0x197: {  	vm11 =	vmor vm3, vm0;
	v27, _, _ =	vpop (xrf2);
	(xrf2) =	vadd.scan.msk.f32 $0xffff, v5;
	[tilespmem:v7+s28+$0x0] =	vst.idx.add.f32.msk vm4, v1  }
0x198: {  	v3 =	vsub.f32 $0.0e+00, v3;
	v28, _, _ =	vpop (xrf2);
	(xrf2) =	vadd.scan.msk.f32 $0xffff, v4;
	[tilespmem:v7+s29+$0x0] =	vst.idx.add.f32.msk vm4, v27  }
0x199: {  	[tilespmem:v7+s30+$0x0] =	vst.idx.add.f32.msk vm4, v28  }
0x19a: {  	[tilespmem:v8+s26+$0x0] =	vst.idx.add.f32.msk vm2, v3  }
0x19b: {  	v3 =	vld [tilespmem:s8+$0xFFFFFFF0]  }
0x19c: {  	v43 =	vld [tilespmem:s8+$0x10];
	v34, _, _ =	vpop (xrf2)  }
0x19d: {  	[tilespmem:v25+s26+$0x0] =	vst.idx.add.f32.msk vm11, v34  }
0x19e: {  	vm3 =	vmand vm3, vm1;
	v5 =	vcvt.s32.f32 v30;
	v29 =	vsub.f32 $0.0e+00, v27;
	[tilespmem:v8+s28+$0x0] =	vst.idx.add.f32.msk vm2, v2  }
0x19f: {  	v31 =	vsub.f32 $0.0e+00, v28;
	[tilespmem:v25+s28+$0x0] =	vst.idx.add.f32.msk vm11, v1  }
0x1a0: {  	[tilespmem:v8+s29+$0x0] =	vst.idx.add.f32.msk vm2, v29;
	(xrf2) =	vadd.scan.msk.f32 $0xffff, v3;
	v3 =	vmul.f32 v5, v3  }
0x1a1: {  	[tilespmem:v8+s30+$0x0] =	vst.idx.add.f32.msk vm2, v31;
	v35, _, _ =	vpop (xrf2)  }
0x1a2: {  	v4 =	vsub.f32 $0.0e+00, v34;
	v36, _, _ =	vpop (xrf2);
	[tilespmem:v25+s29+$0x0] =	vst.idx.add.f32.msk vm11, v35;
	(xrf2) =	vadd.scan.msk.f32 $0xffff, v3  }
0x1a3: {  	[tilespmem:v25+s30+$0x0] =	vst.idx.add.f32.msk vm11, v36;
	(xrf2) =	vadd.scan.msk.f32 $0xffff, v5  }
0x1a4: {  	vm2 =	vne.s32 v32, v33;
	v3 =	vsub.f32 $0.0e+00, v35;
	[tilespmem:v26+s26+$0x0] =	vst.idx.add.f32.msk vm3, v4  }
0x1a5: {  	vm12 =	vmor vm2, vm0;
	[tilespmem:v26+s28+$0x0] =	vst.idx.add.f32.msk vm3, v2  }
0x1a6: {  	[tilespmem:v26+s29+$0x0] =	vst.idx.add.f32.msk vm3, v3;
	v3 =	vsub.f32 $0.0e+00, v36  }
0x1a7: {  	v44 =	vld [tilespmem:s7+$0x10]  }
0x1a8: {  	v45 =	vld [tilespmem:s6+$0x10]  }
0x1a9: {  	v46 =	vld [tilespmem:s6+$0x11];
	vm2 =	vmand vm2, vm1;
	v4 =	vcvt.s32.f32 v37  }
0x1aa: {  	[tilespmem:v26+s30+$0x0] =	vst.idx.add.f32.msk vm3, v3;
	v3, _, _ =	vpop (xrf2)  }
0x1ab: {  	(xrf2) =	vadd.scan.msk.f32 $0xffff, v38;
	v5 =	vmul.f32 v4, v38;
	[tilespmem:v32+s26+$0x0] =	vst.idx.add.f32.msk vm12, v3  }
0x1ac: {  	v41, _, _ =	vpop (xrf2);
	[tilespmem:v32+s28+$0x0] =	vst.idx.add.f32.msk vm12, v1  }
0x1ad: {  	(xrf2) =	vadd.scan.msk.f32 $0xffff, v5;
	v3 =	vsub.f32 $0.0e+00, v3;
	v42, _, _ =	vpop (xrf2);
	[tilespmem:v32+s29+$0x0] =	vst.idx.add.f32.msk vm12, v41  }
0x1ae: {  	(xrf2) =	vadd.scan.msk.f32 $0xffff, v4;
	[tilespmem:v32+s30+$0x0] =	vst.idx.add.f32.msk vm12, v42  }
0x1af: {  	vm3 =	vne.s32 v39, v40;
	[tilespmem:v33+s26+$0x0] =	vst.idx.add.f32.msk vm2, v3;
	v3 =	vsub.f32 $0.0e+00, v41  }
0x1b0: {  	vm13 =	vmor vm3, vm0;
	[tilespmem:v33+s28+$0x0] =	vst.idx.add.f32.msk vm2, v2  }
0x1b1: {  	[tilespmem:v33+s29+$0x0] =	vst.idx.add.f32.msk vm2, v3;
	v3 =	vsub.f32 $0.0e+00, v42  }
0x1b2: {  	v49 =	vld [tilespmem:s7+$0x20]  }
0x1b3: {  	v50 =	vld [tilespmem:s8+$0x20]  }
0x1b4: {  	v51 =	vld [tilespmem:s6+$0x20];
	vm3 =	vmand vm3, vm1  }
0x1b5: {  	v5 =	vcvt.s32.f32 v44;
	[tilespmem:v33+s30+$0x0] =	vst.idx.add.f32.msk vm2, v3;
	v3, _, _ =	vpop (xrf2)  }
0x1b6: {  	(xrf2) =	vadd.scan.msk.f32 $0xffff, v43;
	[tilespmem:v39+s26+$0x0] =	vst.idx.add.f32.msk vm13, v3  }
0x1b7: {  	v4 =	vmul.f32 v5, v43;
	v47, _, _ =	vpop (xrf2);
	[tilespmem:v39+s28+$0x0] =	vst.idx.add.f32.msk vm13, v1  }
0x1b8: {  	v3 =	vsub.f32 $0.0e+00, v3;
	v48, _, _ =	vpop (xrf2);
	[tilespmem:v39+s29+$0x0] =	vst.idx.add.f32.msk vm13, v47  }
0x1b9: {  	(xrf2) =	vadd.scan.msk.f32 $0xffff, v4;
	[tilespmem:v39+s30+$0x0] =	vst.idx.add.f32.msk vm13, v48  }
0x1ba: {  	(xrf2) =	vadd.scan.msk.f32 $0xffff, v5;
	[tilespmem:v40+s26+$0x0] =	vst.idx.add.f32.msk vm3, v3;
	v3 =	vsub.f32 $0.0e+00, v47  }
0x1bb: {  	vm2 =	vne.s32 v45, v46;
	[tilespmem:v40+s28+$0x0] =	vst.idx.add.f32.msk vm3, v2  }
0x1bc: {  	vm14 =	vmor vm2, vm0;
	[tilespmem:v40+s29+$0x0] =	vst.idx.add.f32.msk vm3, v3;
	v3 =	vsub.f32 $0.0e+00, v48  }
0x1bd: {  	v52 =	vld [tilespmem:s6+$0x21]  }
0x1be: {  	v54 =	vld [tilespmem:s7+$0x30];
	v4 =	vcvt.s32.f32 v49  }
0x1bf: {  	v56 =	vld [tilespmem:s8+$0x30]  }
0x1c0: {  	vm2 =	vmand vm2, vm1;
	v5 =	vmul.f32 v4, v50;
	[tilespmem:v40+s30+$0x0] =	vst.idx.add.f32.msk vm3, v3;
	v3, _, _ =	vpop (xrf2);
	(xrf2) =	vadd.scan.msk.f32 $0xffff, v50  }
0x1c1: {  	v57 =	vld [tilespmem:s6+$0x30]  }
0x1c2: {  	[tilespmem:v45+s26+$0x0] =	vst.idx.add.f32.msk vm14, v3;
	(xrf2) =	vadd.scan.msk.f32 $0xffff, v5  }
0x1c3: {  	v53, _, _ =	vpop (xrf2);
	[tilespmem:v45+s28+$0x0] =	vst.idx.add.f32.msk vm14, v1;
	(xrf2) =	vadd.scan.msk.f32 $0xffff, v4  }
0x1c4: {  	vm3 =	vne.s32 v51, v52;
	v3 =	vsub.f32 $0.0e+00, v3;
	v55, _, _ =	vpop (xrf2);
	[tilespmem:v45+s29+$0x0] =	vst.idx.add.f32.msk vm14, v53  }
0x1c5: {  	vm15 =	vmor vm3, vm0;
	[tilespmem:v45+s30+$0x0] =	vst.idx.add.f32.msk vm14, v55  }
0x1c6: {  	[tilespmem:v46+s26+$0x0] =	vst.idx.add.f32.msk vm2, v3;
	v3 =	vcvt.s32.f32 v54  }
0x1c7: {  	v58 =	vld [tilespmem:s6+$0x31];
	v10 =	vsub.f32 $0.0e+00, v53  }
0x1c8: {  	v5 =	vsub.f32 $0.0e+00, v55;
	(xrf2) =	vadd.scan.msk.f32 $0xffff, v56;
	[tilespmem:v46+s28+$0x0] =	vst.idx.add.f32.msk vm2, v2;
	v4 =	vmul.f32 v3, v56  }
0x1c9: {  	vm3 =	vmand vm3, vm1;
	[tilespmem:v46+s29+$0x0] =	vst.idx.add.f32.msk vm2, v10  }
0x1ca: {  	[tilespmem:v46+s30+$0x0] =	vst.idx.add.f32.msk vm2, v5;
	(xrf2) =	vadd.scan.msk.f32 $0xffff, v4;
	v59, _, _ =	vpop (xrf2)  }
0x1cb: {  	(xrf2) =	vadd.scan.msk.f32 $0xffff, v3;
	[tilespmem:v51+s26+$0x0] =	vst.idx.add.f32.msk vm15, v59  }
0x1cc: {  	vm2 =	vne.s32 v57, v58;
	v3, _, _ =	vpop (xrf2);
	[tilespmem:v51+s28+$0x0] =	vst.idx.add.f32.msk vm15, v1  }
0x1cd: {  	vm5 =	vmor vm2, vm0;
	v5 =	vsub.f32 $0.0e+00, v59;
	v60, _, _ =	vpop (xrf2);
	[tilespmem:v51+s29+$0x0] =	vst.idx.add.f32.msk vm15, v3  }
0x1ce: {  	v3 =	vsub.f32 $0.0e+00, v3;
	[tilespmem:v51+s30+$0x0] =	vst.idx.add.f32.msk vm15, v60  }
0x1cf: {  	[tilespmem:v52+s26+$0x0] =	vst.idx.add.f32.msk vm3, v5  }
0x1d0: {  	v4 =	vsub.f32 $0.0e+00, v60;
	[tilespmem:v52+s28+$0x0] =	vst.idx.add.f32.msk vm3, v2  }
0x1d1: {  	vm2 =	vmand vm2, vm1;
	[tilespmem:v52+s29+$0x0] =	vst.idx.add.f32.msk vm3, v3  }
0x1d2: {  	v3, _, _ =	vpop (xrf2);
	[tilespmem:v52+s30+$0x0] =	vst.idx.add.f32.msk vm3, v4  }
0x1d3: {  	[tilespmem:v57+s26+$0x0] =	vst.idx.add.f32.msk vm5, v3  }
0x1d4: {  	s5 =	sadd.s32 $0x8, s5;
	v61, _, _ =	vpop (xrf2);
	[tilespmem:v57+s28+$0x0] =	vst.idx.add.f32.msk vm5, v1  }
0x1d5: {  	p0 =	slt.u32 s5, $0x1F8;
	v3 =	vsub.f32 $0.0e+00, v3;
	v62, _, _ =	vpop (xrf2);
	[tilespmem:v57+s29+$0x0] =	vst.idx.add.f32.msk vm5, v61  }
.Ltmp4:
0x1d6: {  	[tilespmem:v57+s30+$0x0] =	vst.idx.add.f32.msk vm5, v62;
	(pc) =	sbr.rel @p0 .LBB2_10-.Ltmp4, $4  }
0x1d7: {  	[tilespmem:v58+s26+$0x0] =	vst.idx.add.f32.msk vm2, v3;
	v3 =	vsub.f32 $0.0e+00, v61  }
0x1d8: {  	v63 =	vsub.f32 $0.0e+00, v62;
	[tilespmem:v58+s28+$0x0] =	vst.idx.add.f32.msk vm2, v2  }
0x1d9: {  	[tilespmem:v58+s29+$0x0] =	vst.idx.add.f32.msk vm2, v3  }
0x1da: {  	s6 =	sadd.s32 $0x80, s6;
	s7 =	sadd.s32 $0x80, s7;
	s8 =	sadd.s32 $0x80, s8;
	[tilespmem:v58+s30+$0x0] =	vst.idx.add.f32.msk vm2, v63  }
0x1db: {  	[hbm4b:s15+s1] =	stream.strided.scatter [tilespmem:s26], [sflag:$0x3], $0x2000, s0, s1, $0x38;
	[tilespmem:$0x14100] =	vst v63  }
0x1dc: {  	_ =	swait.ge [sflag:s3], $0x2000  }
0x1dd: {  	[sflag:s3] =	ssyncset.done $0x0  }
0x1de: {  	[sflag:s3] =	ssyncadd.s32 $0xFFFFE000  }
0x1df: {  	[hbm4b:s16+s1] =	stream.strided.scatter [tilespmem:s28], [sflag:$0x3], $0x2000, s0, s1, $0x38;
	[tilespmem:$0x14100] =	vst v63  }
0x1e0: {  	_ =	swait.ge [sflag:s3], $0x2000  }
0x1e1: {  	[sflag:s3] =	ssyncset.done $0x0  }
0x1e2: {  	[sflag:s3] =	ssyncadd.s32 $0xFFFFE000  }
0x1e3: {  	[hbm4b:s17+s1] =	stream.strided.scatter [tilespmem:s29], [sflag:$0x3], $0x2000, s0, s1, $0x38;
	[tilespmem:$0x14100] =	vst v63  }
0x1e4: {  	s4 =	sadd.s32 $0x1, s4;
	_ =	swait.ge [sflag:s3], $0x2000  }
0x1e5: {  	p0 =	sne.s32 s4, s19;
	[sflag:s3] =	ssyncset.done $0x0  }
.Ltmp5:
0x1e6: {  	[sflag:s3] =	ssyncadd.s32 $0xFFFFE000;
	(pc) =	sbr.rel @p0 .LBB2_1-.Ltmp5, $4  }
0x1e7: {  	[hbm4b:s18+s1] =	stream.strided.scatter [tilespmem:s30], [sflag:$0x3], $0x2000, s0, s1, $0x38;
	[tilespmem:$0x14100] =	vst v63  }
0x1e8: {  	_ =	swait.ge [sflag:s3], $0x2000  }
0x1e9: {  	[sflag:s3] =	ssyncset.done $0x0  }
0x1ea: {  	[sflag:s3] =	ssyncadd.s32 $0xFFFFE000  }
0x1eb: {  	_ =	sfence.sel $0x180000  }
0x1ec: {  	[bflag:$0x0] =	sbarrier.arrive $0xFFFF  }
0x1ed: {  	_ =	strace $0x90000047  }
0x1ee: {  	s0 =	stileid.u32;
	[bflag:$0x2] =	sbarrier.arrive $0xFFFF  }
0x1ef: {  	p0 =	sne.s32 s0, $0x0;
	s0 =	rddreg [dreg:$0x4]  }
0x1f0: {  	s0 =	sadd.s32 @!p0 $0x100000, s0  }
0x1f1: {  	[sflag:s0] =	ssyncadd.tile.s32 @!p0 $0x1;
	_ =	shalt  }
.Lfunc_end2:
_tile_overlayer_lowered:
.L_overlay_start_2:
0x1f2: {  	(tag) =	ssettag $0x2  }
0x1f3: {  	s0 =	rddreg [dreg:$0x0];
	s2 =	stileid.u32  }
0x1f4: {  	s1 =	rddreg [dreg:$0x1];
	p0 =	sne.s32 s2, $0x0  }
0x1f5: {  	s3 =	rddreg [dreg:$0x2];
	[bflag:$0x3] =	sbarrier.arrive $0xFFFF;
	s2 =	simm.s32 @!p0 $0x1C03  }
0x1f6: {  	[timem:s3], [sflag:s2] =	dma.local @!p0 [hbm:s0], s1  }
0x1f7: {  	s0 =	simm.s32 @!p0 $0x3  }
0x1f8: {  	_ =	swait.ge @!p0 [sflag:s0], s1  }
0x1f9: {  	s1 =	ssub.s32 @!p0 $0x0, s1;
	[sflag:s0] =	ssyncset.done @!p0 $0x0  }
0x1fa: {  	[sflag:s0] =	ssyncadd.s32 @!p0 s1  }
0x1fb: {  	[bflag:$0x3] =	sbarrier.arrive $0xFFFF  }
0x1fc: {  	_ =	shalt  }

</sc_bundles>
